<compile_context>
chip_gen: v7x
topology: tpu7x:2x2x1
jax: 0.10.2.dev20260603
libtpu: 0.0.44.dev20260713+nightly
codegen_flags: <defaults>
</compile_context>

<pallas_src>
import jax
import jax.numpy as jnp
from jax import lax
from jax.experimental import pallas as pl
from jax.experimental.pallas import tpu as pltpu
from jax.experimental.pallas import tpu_sc as plsc

SEQ = 200
BATCH = 4096
DIM = 64
OUT_DIM = 128
VOCAB = 1000000
NC = 2
NS = 16
NW = NC * NS
BPW = BATCH // NW
NTR = SEQ // 8
C0 = 128
C1 = SEQ - C0
NIDX = BATCH * SEQ


def _sc_transpose_body(text_hbm, out_hbm, raw_v, idxT_v):
    wid = lax.axis_index("s") * NC + lax.axis_index("c")
    base = wid * BPW
    for tr in range(NTR):
        pltpu.sync_copy(text_hbm.at[pl.ds(tr * 8, 8), pl.ds(base, BPW)],
                        raw_v.at[tr])
    lanes = lax.iota(jnp.int32, 16)

    def trans_tile(tr, carry):
        s0 = tr * 8
        for r in range(8):
            for c in range(BPW // 16):
                dest = (lanes + (c * 16)) * SEQ + (s0 + r)
                plsc.store_scatter(idxT_v, [dest],
                                   raw_v[tr, r, c * 16:(c + 1) * 16])
        return carry

    lax.fori_loop(0, NTR, trans_tile, 0)
    pltpu.sync_copy(idxT_v, out_hbm.at[pl.ds(base * SEQ, BPW * SEQ)])


@jax.jit
def _sc_transpose(text):
    mesh = plsc.VectorSubcoreMesh(core_axis_name="c", subcore_axis_name="s")
    return pl.kernel(
        _sc_transpose_body,
        out_type=jax.ShapeDtypeStruct((NIDX,), jnp.int32),
        mesh=mesh,
        scratch_types=[
            pltpu.VMEM((NTR, 8, BPW), jnp.int32),
            pltpu.VMEM((BPW * SEQ,), jnp.int32),
        ],
        compiler_params=pltpu.CompilerParams(use_tc_tiling_on_sc=True,
                                             needs_layout_passes=False),
    )(text)


def _sc_pool_body(idxT_hbm, table_hbm, out_hbm, idx_v, rows_v, sums_v,
                  sems):
    wid = lax.axis_index("s") * NC + lax.axis_index("c")
    base = wid * BPW
    pltpu.sync_copy(idxT_hbm.at[pl.ds(base * SEQ, BPW * SEQ)], idx_v)

    def gather_col(j, buf):
        pltpu.async_copy(
            table_hbm.at[idx_v.at[pl.ds(j * SEQ, C0)]],
            rows_v.at[buf, pl.ds(0, C0)], sems.at[buf])
        pltpu.async_copy(
            table_hbm.at[idx_v.at[pl.ds(j * SEQ + C0, C1)]],
            rows_v.at[buf, pl.ds(C0, C1)], sems.at[buf])

    def wait_col(j, buf):
        pltpu.make_async_copy(
            table_hbm.at[idx_v.at[pl.ds(j * SEQ, C0)]],
            rows_v.at[buf, pl.ds(0, C0)], sems.at[buf]).wait()
        pltpu.make_async_copy(
            table_hbm.at[idx_v.at[pl.ds(j * SEQ + C0, C1)]],
            rows_v.at[buf, pl.ds(C0, C1)], sems.at[buf]).wait()

    def accum_col(j, buf):
        def srow(s, acc):
            a0, a1, a2, a3 = acc
            return (a0 + rows_v[buf, s, 0:16], a1 + rows_v[buf, s, 16:32],
                    a2 + rows_v[buf, s, 32:48], a3 + rows_v[buf, s, 48:64])

        z = jnp.zeros((16,), jnp.float32)
        a0, a1, a2, a3 = lax.fori_loop(0, SEQ, srow, (z, z, z, z),
                                       unroll=8)
        scale = jnp.float32(1.0 / SEQ)
        sums_v[j, 0:16] = a0 * scale
        sums_v[j, 16:32] = a1 * scale
        sums_v[j, 32:48] = a2 * scale
        sums_v[j, 48:64] = a3 * scale

    gather_col(0, 0)

    def pair(i, carry):
        j = 2 * i
        gather_col(j + 1, 1)
        wait_col(j, 0)
        accum_col(j, 0)

        @pl.when(j + 2 < BPW)
        def _():
            gather_col(j + 2, 0)

        wait_col(j + 1, 1)
        accum_col(j + 1, 1)
        return carry

    lax.fori_loop(0, BPW // 2, pair, 0)
    pltpu.sync_copy(sums_v, out_hbm.at[pl.ds(base, BPW)])


@jax.jit
def _sc_pool(idxT, table):
    mesh = plsc.VectorSubcoreMesh(core_axis_name="c", subcore_axis_name="s")
    return pl.kernel(
        _sc_pool_body,
        out_type=jax.ShapeDtypeStruct((BATCH, DIM), jnp.float32),
        mesh=mesh,
        scratch_types=[
            pltpu.VMEM((BPW * SEQ,), jnp.int32),
            pltpu.VMEM((2, SEQ, DIM), jnp.float32),
            pltpu.VMEM((BPW, DIM), jnp.float32),
            pltpu.SemaphoreType.DMA((2,)),
        ],
        compiler_params=pltpu.CompilerParams(use_tc_tiling_on_sc=False,
                                             needs_layout_passes=False),
    )(idxT, table)


def _tc_fc_body(x_ref, w_ref, b_ref, o_ref):
    o_ref[...] = lax.dot_general(
        x_ref[...], w_ref[...], (((1,), (1,)), ((), ())),
        preferred_element_type=jnp.float32) + b_ref[...]


@jax.jit
def _tc_fc(pooled, W, b2d):
    return pl.pallas_call(
        _tc_fc_body,
        out_shape=jax.ShapeDtypeStruct((BATCH, OUT_DIM), jnp.float32),
    )(pooled, W, b2d)


def kernel(text, emb_table, W, b):
    idxT = _sc_transpose(text.astype(jnp.int32))
    pooled = _sc_pool(idxT, emb_table)
    return _tc_fc(pooled, W, b.reshape(1, OUT_DIM))

# --- scband reference (transcript-rebuilt; emitter-appended) ---
"""Pipeline reference for scband-fast-text-37580963840531 (READ-ONLY COPY).

The authoritative reference and input builder live on the scoring server;
editing this copy changes nothing except your own understanding.
"""

import jax, jax.numpy as jnp
import numpy as np

VOCAB = 1000000
EMBED_DIM = 64
OUTPUT_DIM = 128
PAD_IDX = 0
SEQ_LEN = 200
BATCH = 4096


def setup_inputs(seed: int = 0) -> dict:
    key = jax.random.key(seed)
    k1, k2, k3, k4 = jax.random.split(key, 4)
    text = jax.random.randint(k1, (SEQ_LEN, BATCH), 0, VOCAB, dtype=jnp.int64) if jax.config.jax_enable_x64 else jax.random.randint(k1, (SEQ_LEN, BATCH), 0, VOCAB, dtype=jnp.int32)
    emb_table = jax.random.normal(k2, (VOCAB, EMBED_DIM), dtype=jnp.float32)
    # padding_idx row initialized to zeros, matching nn.Embedding(padding_idx=...)
    emb_table = emb_table.at[PAD_IDX].set(0.0)
    W = jax.random.normal(k3, (OUTPUT_DIM, EMBED_DIM), dtype=jnp.float32) * (1.0 / np.sqrt(EMBED_DIM))
    b = jax.random.normal(k4, (OUTPUT_DIM,), dtype=jnp.float32) * 0.01
    return {"text": text, "emb_table": emb_table, "W": W, "b": b}


def reference(text, emb_table, W, b):
    # embedded = self.embedding(text): [S, B, D]
    embedded = jnp.take(emb_table, text, axis=0)
    # embedded.permute(1, 0, 2): [B, S, D]
    embedded = jnp.transpose(embedded, (1, 0, 2))
    # F.avg_pool2d(embedded, (S, 1)).squeeze(1): mean over seq dim -> [B, D]
    pooled = jnp.mean(embedded, axis=1)
    # self.fc(pooled): [B, OUTPUT_DIM]
    out = pooled @ W.T + b
    return out

if __name__ == "__main__":
    import jax
    _d = setup_inputs()
    print(jax.jit(kernel)(*tuple(_d.values())))

</pallas_src>

<mosaic_0001>
#map = affine_map<(d0, d1) -> (0, 0)>
#map1 = affine_map<(d0, d1) -> (0)>
module attributes {stable_mosaic.version = 14 : i64} {
  func.func @_sc_transpose_body(%arg0: i32, %arg1: i32, %arg2: memref<200x4096xi32, #tpu.memory_space<hbm>>, %arg3: memref<819200xi32, #tpu.memory_space<hbm>>, %arg4: memref<25x8x128xi32, #tpu.memory_space<vmem>>, %arg5: memref<25600xi32, #tpu.memory_space<vmem>>) attributes {dimension_semantics = [#tpu.dimension_semantics<core_parallel>, #tpu.dimension_semantics<subcore_parallel>], iteration_bounds = array<i64: 2, 16>, scalar_prefetch = 0 : i64, scratch_operands = 2 : i64, tpu.core_type = #tpu.core_type<sc_vector_subcore>, window_params = [{transform_indices = #map}, {transform_indices = #map1}]} {
    %mul3A = arith.constant 2 : i32
    %mul3A_0 = arith.muli %arg1, %mul3A : i32
    %add3A = arith.addi %mul3A_0, %arg0 : i32
    %mul3A_1 = arith.constant 128 : i32
    %mul3A_2 = arith.muli %add3A, %mul3A_1 : i32
    %run_scoped3A = arith.constant 0 : i32
    "tpu.region"() ({
      %run_scoped3A_34 = tpu.sem_alloc : memref<!tpu.dma_semaphore, #tpu.memory_space<semaphore_mem>>
      %dma_start3A = arith.constant 0 : i32
      %dma_start3A_35 = arith.constant 0 : i32
      %dma_start3A_36 = tpu.memref_slice %arg4[%run_scoped3A, %dma_start3A, %dma_start3A_35] : memref<25x8x128xi32, #tpu.memory_space<vmem>> -> memref<1x8x128xi32, #tpu.memory_space<vmem>>
      %dma_start3A_37 = tpu.memref_squeeze %dma_start3A_36 : memref<1x8x128xi32, #tpu.memory_space<vmem>> -> memref<8x128xi32, #tpu.memory_space<vmem>>
      %dma_start3A_38 = arith.constant 0 : i32
      %dma_start3A_39 = tpu.memref_slice %arg2[%dma_start3A_38, %mul3A_2] : memref<200x4096xi32, #tpu.memory_space<hbm>> -> memref<8x128xi32, #tpu.memory_space<hbm>>
      %dma_start3A_40 = arith.constant 0 : i32
      %dma_start3A_41 = arith.constant 0 : i32
      %dma_start3A_42 = tpu.memref_slice %arg4[%run_scoped3A, %dma_start3A_40, %dma_start3A_41] : memref<25x8x128xi32, #tpu.memory_space<vmem>> -> memref<1x8x128xi32, #tpu.memory_space<vmem>>
      %dma_start3A_43 = tpu.memref_squeeze %dma_start3A_42 : memref<1x8x128xi32, #tpu.memory_space<vmem>> -> memref<8x128xi32, #tpu.memory_space<vmem>>
      %dma_start3A_44 = arith.constant 0 : i32
      %dma_start3A_45 = tpu.memref_slice %arg2[%dma_start3A_44, %mul3A_2] : memref<200x4096xi32, #tpu.memory_space<hbm>> -> memref<8x128xi32, #tpu.memory_space<hbm>>
      tpu.enqueue_dma source(%dma_start3A_45 : memref<8x128xi32, #tpu.memory_space<hbm>>) target(%dma_start3A_43 : memref<8x128xi32, #tpu.memory_space<vmem>>) target_semaphore(%run_scoped3A_34 : memref<!tpu.dma_semaphore, #tpu.memory_space<semaphore_mem>>)
      %dma_wait3A = arith.constant 0 : i32
      %dma_wait3A_46 = arith.constant 0 : i32
      %dma_wait3A_47 = tpu.memref_slice %arg4[%run_scoped3A, %dma_wait3A, %dma_wait3A_46] : memref<25x8x128xi32, #tpu.memory_space<vmem>> -> memref<1x8x128xi32, #tpu.memory_space<vmem>>
      %dma_wait3A_48 = tpu.memref_squeeze %dma_wait3A_47 : memref<1x8x128xi32, #tpu.memory_space<vmem>> -> memref<8x128xi32, #tpu.memory_space<vmem>>
      %dma_wait3A_49 = arith.constant 0 : i32
      %dma_wait3A_50 = tpu.memref_slice %arg2[%dma_wait3A_49, %mul3A_2] : memref<200x4096xi32, #tpu.memory_space<hbm>> -> memref<8x128xi32, #tpu.memory_space<hbm>>
      %dma_wait3A_51 = arith.constant 0 : i32
      %dma_wait3A_52 = arith.constant 0 : i32
      %dma_wait3A_53 = tpu.memref_slice %arg4[%run_scoped3A, %dma_wait3A_51, %dma_wait3A_52] : memref<25x8x128xi32, #tpu.memory_space<vmem>> -> memref<1x8x128xi32, #tpu.memory_space<vmem>>
      %dma_wait3A_54 = tpu.memref_squeeze %dma_wait3A_53 : memref<1x8x128xi32, #tpu.memory_space<vmem>> -> memref<8x128xi32, #tpu.memory_space<vmem>>
      %dma_wait3A_55 = arith.constant 0 : i32
      %dma_wait3A_56 = tpu.memref_slice %arg2[%dma_wait3A_55, %mul3A_2] : memref<200x4096xi32, #tpu.memory_space<hbm>> -> memref<8x128xi32, #tpu.memory_space<hbm>>
      tpu.wait_dma2 semaphore(%run_scoped3A_34 : memref<!tpu.dma_semaphore, #tpu.memory_space<semaphore_mem>>) src(%dma_wait3A_56 : memref<8x128xi32, #tpu.memory_space<hbm>>) dst(%dma_wait3A_54 : memref<8x128xi32, #tpu.memory_space<vmem>>)
      tpu.yield
    }) : () -> ()
    %run_scoped3A_3 = arith.constant 1 : i32
    "tpu.region"() ({
      %run_scoped3A_34 = tpu.sem_alloc : memref<!tpu.dma_semaphore, #tpu.memory_space<semaphore_mem>>
      %dma_start3A = arith.constant 0 : i32
      %dma_start3A_35 = arith.constant 0 : i32
      %dma_start3A_36 = tpu.memref_slice %arg4[%run_scoped3A_3, %dma_start3A, %dma_start3A_35] : memref<25x8x128xi32, #tpu.memory_space<vmem>> -> memref<1x8x128xi32, #tpu.memory_space<vmem>>
      %dma_start3A_37 = tpu.memref_squeeze %dma_start3A_36 : memref<1x8x128xi32, #tpu.memory_space<vmem>> -> memref<8x128xi32, #tpu.memory_space<vmem>>
      %dma_start3A_38 = arith.constant 8 : i32
      %dma_start3A_39 = tpu.memref_slice %arg2[%dma_start3A_38, %mul3A_2] : memref<200x4096xi32, #tpu.memory_space<hbm>> -> memref<8x128xi32, #tpu.memory_space<hbm>>
      %dma_start3A_40 = arith.constant 0 : i32
      %dma_start3A_41 = arith.constant 0 : i32
      %dma_start3A_42 = tpu.memref_slice %arg4[%run_scoped3A_3, %dma_start3A_40, %dma_start3A_41] : memref<25x8x128xi32, #tpu.memory_space<vmem>> -> memref<1x8x128xi32, #tpu.memory_space<vmem>>
      %dma_start3A_43 = tpu.memref_squeeze %dma_start3A_42 : memref<1x8x128xi32, #tpu.memory_space<vmem>> -> memref<8x128xi32, #tpu.memory_space<vmem>>
      %dma_start3A_44 = arith.constant 8 : i32
      %dma_start3A_45 = tpu.memref_slice %arg2[%dma_start3A_44, %mul3A_2] : memref<200x4096xi32, #tpu.memory_space<hbm>> -> memref<8x128xi32, #tpu.memory_space<hbm>>
      tpu.enqueue_dma source(%dma_start3A_45 : memref<8x128xi32, #tpu.memory_space<hbm>>) target(%dma_start3A_43 : memref<8x128xi32, #tpu.memory_space<vmem>>) target_semaphore(%run_scoped3A_34 : memref<!tpu.dma_semaphore, #tpu.memory_space<semaphore_mem>>)
      %dma_wait3A = arith.constant 0 : i32
      %dma_wait3A_46 = arith.constant 0 : i32
      %dma_wait3A_47 = tpu.memref_slice %arg4[%run_scoped3A_3, %dma_wait3A, %dma_wait3A_46] : memref<25x8x128xi32, #tpu.memory_space<vmem>> -> memref<1x8x128xi32, #tpu.memory_space<vmem>>
      %dma_wait3A_48 = tpu.memref_squeeze %dma_wait3A_47 : memref<1x8x128xi32, #tpu.memory_space<vmem>> -> memref<8x128xi32, #tpu.memory_space<vmem>>
      %dma_wait3A_49 = arith.constant 8 : i32
      %dma_wait3A_50 = tpu.memref_slice %arg2[%dma_wait3A_49, %mul3A_2] : memref<200x4096xi32, #tpu.memory_space<hbm>> -> memref<8x128xi32, #tpu.memory_space<hbm>>
      %dma_wait3A_51 = arith.constant 0 : i32
      %dma_wait3A_52 = arith.constant 0 : i32
      %dma_wait3A_53 = tpu.memref_slice %arg4[%run_scoped3A_3, %dma_wait3A_51, %dma_wait3A_52] : memref<25x8x128xi32, #tpu.memory_space<vmem>> -> memref<1x8x128xi32, #tpu.memory_space<vmem>>
      %dma_wait3A_54 = tpu.memref_squeeze %dma_wait3A_53 : memref<1x8x128xi32, #tpu.memory_space<vmem>> -> memref<8x128xi32, #tpu.memory_space<vmem>>
      %dma_wait3A_55 = arith.constant 8 : i32
      %dma_wait3A_56 = tpu.memref_slice %arg2[%dma_wait3A_55, %mul3A_2] : memref<200x4096xi32, #tpu.memory_space<hbm>> -> memref<8x128xi32, #tpu.memory_space<hbm>>
      tpu.wait_dma2 semaphore(%run_scoped3A_34 : memref<!tpu.dma_semaphore, #tpu.memory_space<semaphore_mem>>) src(%dma_wait3A_56 : memref<8x128xi32, #tpu.memory_space<hbm>>) dst(%dma_wait3A_54 : memref<8x128xi32, #tpu.memory_space<vmem>>)
      tpu.yield
    }) : () -> ()
    %run_scoped3A_4 = arith.constant 2 : i32
    "tpu.region"() ({
      %run_scoped3A_34 = tpu.sem_alloc : memref<!tpu.dma_semaphore, #tpu.memory_space<semaphore_mem>>
      %dma_start3A = arith.constant 0 : i32
      %dma_start3A_35 = arith.constant 0 : i32
      %dma_start3A_36 = tpu.memref_slice %arg4[%run_scoped3A_4, %dma_start3A, %dma_start3A_35] : memref<25x8x128xi32, #tpu.memory_space<vmem>> -> memref<1x8x128xi32, #tpu.memory_space<vmem>>
      %dma_start3A_37 = tpu.memref_squeeze %dma_start3A_36 : memref<1x8x128xi32, #tpu.memory_space<vmem>> -> memref<8x128xi32, #tpu.memory_space<vmem>>
      %dma_start3A_38 = arith.constant 16 : i32
      %dma_start3A_39 = tpu.memref_slice %arg2[%dma_start3A_38, %mul3A_2] : memref<200x4096xi32, #tpu.memory_space<hbm>> -> memref<8x128xi32, #tpu.memory_space<hbm>>
      %dma_start3A_40 = arith.constant 0 : i32
      %dma_start3A_41 = arith.constant 0 : i32
      %dma_start3A_42 = tpu.memref_slice %arg4[%run_scoped3A_4, %dma_start3A_40, %dma_start3A_41] : memref<25x8x128xi32, #tpu.memory_space<vmem>> -> memref<1x8x128xi32, #tpu.memory_space<vmem>>
      %dma_start3A_43 = tpu.memref_squeeze %dma_start3A_42 : memref<1x8x128xi32, #tpu.memory_space<vmem>> -> memref<8x128xi32, #tpu.memory_space<vmem>>
      %dma_start3A_44 = arith.constant 16 : i32
      %dma_start3A_45 = tpu.memref_slice %arg2[%dma_start3A_44, %mul3A_2] : memref<200x4096xi32, #tpu.memory_space<hbm>> -> memref<8x128xi32, #tpu.memory_space<hbm>>
      tpu.enqueue_dma source(%dma_start3A_45 : memref<8x128xi32, #tpu.memory_space<hbm>>) target(%dma_start3A_43 : memref<8x128xi32, #tpu.memory_space<vmem>>) target_semaphore(%run_scoped3A_34 : memref<!tpu.dma_semaphore, #tpu.memory_space<semaphore_mem>>)
      %dma_wait3A = arith.constant 0 : i32
      %dma_wait3A_46 = arith.constant 0 : i32
      %dma_wait3A_47 = tpu.memref_slice %arg4[%run_scoped3A_4, %dma_wait3A, %dma_wait3A_46] : memref<25x8x128xi32, #tpu.memory_space<vmem>> -> memref<1x8x128xi32, #tpu.memory_space<vmem>>
      %dma_wait3A_48 = tpu.memref_squeeze %dma_wait3A_47 : memref<1x8x128xi32, #tpu.memory_space<vmem>> -> memref<8x128xi32, #tpu.memory_space<vmem>>
      %dma_wait3A_49 = arith.constant 16 : i32
      %dma_wait3A_50 = tpu.memref_slice %arg2[%dma_wait3A_49, %mul3A_2] : memref<200x4096xi32, #tpu.memory_space<hbm>> -> memref<8x128xi32, #tpu.memory_space<hbm>>
      %dma_wait3A_51 = arith.constant 0 : i32
      %dma_wait3A_52 = arith.constant 0 : i32
      %dma_wait3A_53 = tpu.memref_slice %arg4[%run_scoped3A_4, %dma_wait3A_51, %dma_wait3A_52] : memref<25x8x128xi32, #tpu.memory_space<vmem>> -> memref<1x8x128xi32, #tpu.memory_space<vmem>>
      %dma_wait3A_54 = tpu.memref_squeeze %dma_wait3A_53 : memref<1x8x128xi32, #tpu.memory_space<vmem>> -> memref<8x128xi32, #tpu.memory_space<vmem>>
      %dma_wait3A_55 = arith.constant 16 : i32
      %dma_wait3A_56 = tpu.memref_slice %arg2[%dma_wait3A_55, %mul3A_2] : memref<200x4096xi32, #tpu.memory_space<hbm>> -> memref<8x128xi32, #tpu.memory_space<hbm>>
      tpu.wait_dma2 semaphore(%run_scoped3A_34 : memref<!tpu.dma_semaphore, #tpu.memory_space<semaphore_mem>>) src(%dma_wait3A_56 : memref<8x128xi32, #tpu.memory_space<hbm>>) dst(%dma_wait3A_54 : memref<8x128xi32, #tpu.memory_space<vmem>>)
      tpu.yield
    }) : () -> ()
    %run_scoped3A_5 = arith.constant 3 : i32
    "tpu.region"() ({
      %run_scoped3A_34 = tpu.sem_alloc : memref<!tpu.dma_semaphore, #tpu.memory_space<semaphore_mem>>
      %dma_start3A = arith.constant 0 : i32
      %dma_start3A_35 = arith.constant 0 : i32
      %dma_start3A_36 = tpu.memref_slice %arg4[%run_scoped3A_5, %dma_start3A, %dma_start3A_35] : memref<25x8x128xi32, #tpu.memory_space<vmem>> -> memref<1x8x128xi32, #tpu.memory_space<vmem>>
      %dma_start3A_37 = tpu.memref_squeeze %dma_start3A_36 : memref<1x8x128xi32, #tpu.memory_space<vmem>> -> memref<8x128xi32, #tpu.memory_space<vmem>>
      %dma_start3A_38 = arith.constant 24 : i32
      %dma_start3A_39 = tpu.memref_slice %arg2[%dma_start3A_38, %mul3A_2] : memref<200x4096xi32, #tpu.memory_space<hbm>> -> memref<8x128xi32, #tpu.memory_space<hbm>>
      %dma_start3A_40 = arith.constant 0 : i32
      %dma_start3A_41 = arith.constant 0 : i32
      %dma_start3A_42 = tpu.memref_slice %arg4[%run_scoped3A_5, %dma_start3A_40, %dma_start3A_41] : memref<25x8x128xi32, #tpu.memory_space<vmem>> -> memref<1x8x128xi32, #tpu.memory_space<vmem>>
      %dma_start3A_43 = tpu.memref_squeeze %dma_start3A_42 : memref<1x8x128xi32, #tpu.memory_space<vmem>> -> memref<8x128xi32, #tpu.memory_space<vmem>>
      %dma_start3A_44 = arith.constant 24 : i32
      %dma_start3A_45 = tpu.memref_slice %arg2[%dma_start3A_44, %mul3A_2] : memref<200x4096xi32, #tpu.memory_space<hbm>> -> memref<8x128xi32, #tpu.memory_space<hbm>>
      tpu.enqueue_dma source(%dma_start3A_45 : memref<8x128xi32, #tpu.memory_space<hbm>>) target(%dma_start3A_43 : memref<8x128xi32, #tpu.memory_space<vmem>>) target_semaphore(%run_scoped3A_34 : memref<!tpu.dma_semaphore, #tpu.memory_space<semaphore_mem>>)
      %dma_wait3A = arith.constant 0 : i32
      %dma_wait3A_46 = arith.constant 0 : i32
      %dma_wait3A_47 = tpu.memref_slice %arg4[%run_scoped3A_5, %dma_wait3A, %dma_wait3A_46] : memref<25x8x128xi32, #tpu.memory_space<vmem>> -> memref<1x8x128xi32, #tpu.memory_space<vmem>>
      %dma_wait3A_48 = tpu.memref_squeeze %dma_wait3A_47 : memref<1x8x128xi32, #tpu.memory_space<vmem>> -> memref<8x128xi32, #tpu.memory_space<vmem>>
      %dma_wait3A_49 = arith.constant 24 : i32
      %dma_wait3A_50 = tpu.memref_slice %arg2[%dma_wait3A_49, %mul3A_2] : memref<200x4096xi32, #tpu.memory_space<hbm>> -> memref<8x128xi32, #tpu.memory_space<hbm>>
      %dma_wait3A_51 = arith.constant 0 : i32
      %dma_wait3A_52 = arith.constant 0 : i32
      %dma_wait3A_53 = tpu.memref_slice %arg4[%run_scoped3A_5, %dma_wait3A_51, %dma_wait3A_52] : memref<25x8x128xi32, #tpu.memory_space<vmem>> -> memref<1x8x128xi32, #tpu.memory_space<vmem>>
      %dma_wait3A_54 = tpu.memref_squeeze %dma_wait3A_53 : memref<1x8x128xi32, #tpu.memory_space<vmem>> -> memref<8x128xi32, #tpu.memory_space<vmem>>
      %dma_wait3A_55 = arith.constant 24 : i32
      %dma_wait3A_56 = tpu.memref_slice %arg2[%dma_wait3A_55, %mul3A_2] : memref<200x4096xi32, #tpu.memory_space<hbm>> -> memref<8x128xi32, #tpu.memory_space<hbm>>
      tpu.wait_dma2 semaphore(%run_scoped3A_34 : memref<!tpu.dma_semaphore, #tpu.memory_space<semaphore_mem>>) src(%dma_wait3A_56 : memref<8x128xi32, #tpu.memory_space<hbm>>) dst(%dma_wait3A_54 : memref<8x128xi32, #tpu.memory_space<vmem>>)
      tpu.yield
    }) : () -> ()
    %run_scoped3A_6 = arith.constant 4 : i32
    "tpu.region"() ({
      %run_scoped3A_34 = tpu.sem_alloc : memref<!tpu.dma_semaphore, #tpu.memory_space<semaphore_mem>>
      %dma_start3A = arith.constant 0 : i32
      %dma_start3A_35 = arith.constant 0 : i32
      %dma_start3A_36 = tpu.memref_slice %arg4[%run_scoped3A_6, %dma_start3A, %dma_start3A_35] : memref<25x8x128xi32, #tpu.memory_space<vmem>> -> memref<1x8x128xi32, #tpu.memory_space<vmem>>
      %dma_start3A_37 = tpu.memref_squeeze %dma_start3A_36 : memref<1x8x128xi32, #tpu.memory_space<vmem>> -> memref<8x128xi32, #tpu.memory_space<vmem>>
      %dma_start3A_38 = arith.constant 32 : i32
      %dma_start3A_39 = tpu.memref_slice %arg2[%dma_start3A_38, %mul3A_2] : memref<200x4096xi32, #tpu.memory_space<hbm>> -> memref<8x128xi32, #tpu.memory_space<hbm>>
      %dma_start3A_40 = arith.constant 0 : i32
      %dma_start3A_41 = arith.constant 0 : i32
      %dma_start3A_42 = tpu.memref_slice %arg4[%run_scoped3A_6, %dma_start3A_40, %dma_start3A_41] : memref<25x8x128xi32, #tpu.memory_space<vmem>> -> memref<1x8x128xi32, #tpu.memory_space<vmem>>
      %dma_start3A_43 = tpu.memref_squeeze %dma_start3A_42 : memref<1x8x128xi32, #tpu.memory_space<vmem>> -> memref<8x128xi32, #tpu.memory_space<vmem>>
      %dma_start3A_44 = arith.constant 32 : i32
      %dma_start3A_45 = tpu.memref_slice %arg2[%dma_start3A_44, %mul3A_2] : memref<200x4096xi32, #tpu.memory_space<hbm>> -> memref<8x128xi32, #tpu.memory_space<hbm>>
      tpu.enqueue_dma source(%dma_start3A_45 : memref<8x128xi32, #tpu.memory_space<hbm>>) target(%dma_start3A_43 : memref<8x128xi32, #tpu.memory_space<vmem>>) target_semaphore(%run_scoped3A_34 : memref<!tpu.dma_semaphore, #tpu.memory_space<semaphore_mem>>)
      %dma_wait3A = arith.constant 0 : i32
      %dma_wait3A_46 = arith.constant 0 : i32
      %dma_wait3A_47 = tpu.memref_slice %arg4[%run_scoped3A_6, %dma_wait3A, %dma_wait3A_46] : memref<25x8x128xi32, #tpu.memory_space<vmem>> -> memref<1x8x128xi32, #tpu.memory_space<vmem>>
      %dma_wait3A_48 = tpu.memref_squeeze %dma_wait3A_47 : memref<1x8x128xi32, #tpu.memory_space<vmem>> -> memref<8x128xi32, #tpu.memory_space<vmem>>
      %dma_wait3A_49 = arith.constant 32 : i32
      %dma_wait3A_50 = tpu.memref_slice %arg2[%dma_wait3A_49, %mul3A_2] : memref<200x4096xi32, #tpu.memory_space<hbm>> -> memref<8x128xi32, #tpu.memory_space<hbm>>
      %dma_wait3A_51 = arith.constant 0 : i32
      %dma_wait3A_52 = arith.constant 0 : i32
      %dma_wait3A_53 = tpu.memref_slice %arg4[%run_scoped3A_6, %dma_wait3A_51, %dma_wait3A_52] : memref<25x8x128xi32, #tpu.memory_space<vmem>> -> memref<1x8x128xi32, #tpu.memory_space<vmem>>
      %dma_wait3A_54 = tpu.memref_squeeze %dma_wait3A_53 : memref<1x8x128xi32, #tpu.memory_space<vmem>> -> memref<8x128xi32, #tpu.memory_space<vmem>>
      %dma_wait3A_55 = arith.constant 32 : i32
      %dma_wait3A_56 = tpu.memref_slice %arg2[%dma_wait3A_55, %mul3A_2] : memref<200x4096xi32, #tpu.memory_space<hbm>> -> memref<8x128xi32, #tpu.memory_space<hbm>>
      tpu.wait_dma2 semaphore(%run_scoped3A_34 : memref<!tpu.dma_semaphore, #tpu.memory_space<semaphore_mem>>) src(%dma_wait3A_56 : memref<8x128xi32, #tpu.memory_space<hbm>>) dst(%dma_wait3A_54 : memref<8x128xi32, #tpu.memory_space<vmem>>)
      tpu.yield
    }) : () -> ()
    %run_scoped3A_7 = arith.constant 5 : i32
    "tpu.region"() ({
      %run_scoped3A_34 = tpu.sem_alloc : memref<!tpu.dma_semaphore, #tpu.memory_space<semaphore_mem>>
      %dma_start3A = arith.constant 0 : i32
      %dma_start3A_35 = arith.constant 0 : i32
      %dma_start3A_36 = tpu.memref_slice %arg4[%run_scoped3A_7, %dma_start3A, %dma_start3A_35] : memref<25x8x128xi32, #tpu.memory_space<vmem>> -> memref<1x8x128xi32, #tpu.memory_space<vmem>>
      %dma_start3A_37 = tpu.memref_squeeze %dma_start3A_36 : memref<1x8x128xi32, #tpu.memory_space<vmem>> -> memref<8x128xi32, #tpu.memory_space<vmem>>
      %dma_start3A_38 = arith.constant 40 : i32
      %dma_start3A_39 = tpu.memref_slice %arg2[%dma_start3A_38, %mul3A_2] : memref<200x4096xi32, #tpu.memory_space<hbm>> -> memref<8x128xi32, #tpu.memory_space<hbm>>
      %dma_start3A_40 = arith.constant 0 : i32
      %dma_start3A_41 = arith.constant 0 : i32
      %dma_start3A_42 = tpu.memref_slice %arg4[%run_scoped3A_7, %dma_start3A_40, %dma_start3A_41] : memref<25x8x128xi32, #tpu.memory_space<vmem>> -> memref<1x8x128xi32, #tpu.memory_space<vmem>>
      %dma_start3A_43 = tpu.memref_squeeze %dma_start3A_42 : memref<1x8x128xi32, #tpu.memory_space<vmem>> -> memref<8x128xi32, #tpu.memory_space<vmem>>
      %dma_start3A_44 = arith.constant 40 : i32
      %dma_start3A_45 = tpu.memref_slice %arg2[%dma_start3A_44, %mul3A_2] : memref<200x4096xi32, #tpu.memory_space<hbm>> -> memref<8x128xi32, #tpu.memory_space<hbm>>
      tpu.enqueue_dma source(%dma_start3A_45 : memref<8x128xi32, #tpu.memory_space<hbm>>) target(%dma_start3A_43 : memref<8x128xi32, #tpu.memory_space<vmem>>) target_semaphore(%run_scoped3A_34 : memref<!tpu.dma_semaphore, #tpu.memory_space<semaphore_mem>>)
      %dma_wait3A = arith.constant 0 : i32
      %dma_wait3A_46 = arith.constant 0 : i32
      %dma_wait3A_47 = tpu.memref_slice %arg4[%run_scoped3A_7, %dma_wait3A, %dma_wait3A_46] : memref<25x8x128xi32, #tpu.memory_space<vmem>> -> memref<1x8x128xi32, #tpu.memory_space<vmem>>
      %dma_wait3A_48 = tpu.memref_squeeze %dma_wait3A_47 : memref<1x8x128xi32, #tpu.memory_space<vmem>> -> memref<8x128xi32, #tpu.memory_space<vmem>>
      %dma_wait3A_49 = arith.constant 40 : i32
      %dma_wait3A_50 = tpu.memref_slice %arg2[%dma_wait3A_49, %mul3A_2] : memref<200x4096xi32, #tpu.memory_space<hbm>> -> memref<8x128xi32, #tpu.memory_space<hbm>>
      %dma_wait3A_51 = arith.constant 0 : i32
      %dma_wait3A_52 = arith.constant 0 : i32
      %dma_wait3A_53 = tpu.memref_slice %arg4[%run_scoped3A_7, %dma_wait3A_51, %dma_wait3A_52] : memref<25x8x128xi32, #tpu.memory_space<vmem>> -> memref<1x8x128xi32, #tpu.memory_space<vmem>>
      %dma_wait3A_54 = tpu.memref_squeeze %dma_wait3A_53 : memref<1x8x128xi32, #tpu.memory_space<vmem>> -> memref<8x128xi32, #tpu.memory_space<vmem>>
      %dma_wait3A_55 = arith.constant 40 : i32
      %dma_wait3A_56 = tpu.memref_slice %arg2[%dma_wait3A_55, %mul3A_2] : memref<200x4096xi32, #tpu.memory_space<hbm>> -> memref<8x128xi32, #tpu.memory_space<hbm>>
      tpu.wait_dma2 semaphore(%run_scoped3A_34 : memref<!tpu.dma_semaphore, #tpu.memory_space<semaphore_mem>>) src(%dma_wait3A_56 : memref<8x128xi32, #tpu.memory_space<hbm>>) dst(%dma_wait3A_54 : memref<8x128xi32, #tpu.memory_space<vmem>>)
      tpu.yield
    }) : () -> ()
    %run_scoped3A_8 = arith.constant 6 : i32
    "tpu.region"() ({
      %run_scoped3A_34 = tpu.sem_alloc : memref<!tpu.dma_semaphore, #tpu.memory_space<semaphore_mem>>
      %dma_start3A = arith.constant 0 : i32
      %dma_start3A_35 = arith.constant 0 : i32
      %dma_start3A_36 = tpu.memref_slice %arg4[%run_scoped3A_8, %dma_start3A, %dma_start3A_35] : memref<25x8x128xi32, #tpu.memory_space<vmem>> -> memref<1x8x128xi32, #tpu.memory_space<vmem>>
      %dma_start3A_37 = tpu.memref_squeeze %dma_start3A_36 : memref<1x8x128xi32, #tpu.memory_space<vmem>> -> memref<8x128xi32, #tpu.memory_space<vmem>>
      %dma_start3A_38 = arith.constant 48 : i32
      %dma_start3A_39 = tpu.memref_slice %arg2[%dma_start3A_38, %mul3A_2] : memref<200x4096xi32, #tpu.memory_space<hbm>> -> memref<8x128xi32, #tpu.memory_space<hbm>>
      %dma_start3A_40 = arith.constant 0 : i32
      %dma_start3A_41 = arith.constant 0 : i32
      %dma_start3A_42 = tpu.memref_slice %arg4[%run_scoped3A_8, %dma_start3A_40, %dma_start3A_41] : memref<25x8x128xi32, #tpu.memory_space<vmem>> -> memref<1x8x128xi32, #tpu.memory_space<vmem>>
      %dma_start3A_43 = tpu.memref_squeeze %dma_start3A_42 : memref<1x8x128xi32, #tpu.memory_space<vmem>> -> memref<8x128xi32, #tpu.memory_space<vmem>>
      %dma_start3A_44 = arith.constant 48 : i32
      %dma_start3A_45 = tpu.memref_slice %arg2[%dma_start3A_44, %mul3A_2] : memref<200x4096xi32, #tpu.memory_space<hbm>> -> memref<8x128xi32, #tpu.memory_space<hbm>>
      tpu.enqueue_dma source(%dma_start3A_45 : memref<8x128xi32, #tpu.memory_space<hbm>>) target(%dma_start3A_43 : memref<8x128xi32, #tpu.memory_space<vmem>>) target_semaphore(%run_scoped3A_34 : memref<!tpu.dma_semaphore, #tpu.memory_space<semaphore_mem>>)
      %dma_wait3A = arith.constant 0 : i32
      %dma_wait3A_46 = arith.constant 0 : i32
      %dma_wait3A_47 = tpu.memref_slice %arg4[%run_scoped3A_8, %dma_wait3A, %dma_wait3A_46] : memref<25x8x128xi32, #tpu.memory_space<vmem>> -> memref<1x8x128xi32, #tpu.memory_space<vmem>>
      %dma_wait3A_48 = tpu.memref_squeeze %dma_wait3A_47 : memref<1x8x128xi32, #tpu.memory_space<vmem>> -> memref<8x128xi32, #tpu.memory_space<vmem>>
      %dma_wait3A_49 = arith.constant 48 : i32
      %dma_wait3A_50 = tpu.memref_slice %arg2[%dma_wait3A_49, %mul3A_2] : memref<200x4096xi32, #tpu.memory_space<hbm>> -> memref<8x128xi32, #tpu.memory_space<hbm>>
      %dma_wait3A_51 = arith.constant 0 : i32
      %dma_wait3A_52 = arith.constant 0 : i32
      %dma_wait3A_53 = tpu.memref_slice %arg4[%run_scoped3A_8, %dma_wait3A_51, %dma_wait3A_52] : memref<25x8x128xi32, #tpu.memory_space<vmem>> -> memref<1x8x128xi32, #tpu.memory_space<vmem>>
      %dma_wait3A_54 = tpu.memref_squeeze %dma_wait3A_53 : memref<1x8x128xi32, #tpu.memory_space<vmem>> -> memref<8x128xi32, #tpu.memory_space<vmem>>
      %dma_wait3A_55 = arith.constant 48 : i32
      %dma_wait3A_56 = tpu.memref_slice %arg2[%dma_wait3A_55, %mul3A_2] : memref<200x4096xi32, #tpu.memory_space<hbm>> -> memref<8x128xi32, #tpu.memory_space<hbm>>
      tpu.wait_dma2 semaphore(%run_scoped3A_34 : memref<!tpu.dma_semaphore, #tpu.memory_space<semaphore_mem>>) src(%dma_wait3A_56 : memref<8x128xi32, #tpu.memory_space<hbm>>) dst(%dma_wait3A_54 : memref<8x128xi32, #tpu.memory_space<vmem>>)
      tpu.yield
    }) : () -> ()
    %run_scoped3A_9 = arith.constant 7 : i32
    "tpu.region"() ({
      %run_scoped3A_34 = tpu.sem_alloc : memref<!tpu.dma_semaphore, #tpu.memory_space<semaphore_mem>>
      %dma_start3A = arith.constant 0 : i32
      %dma_start3A_35 = arith.constant 0 : i32
      %dma_start3A_36 = tpu.memref_slice %arg4[%run_scoped3A_9, %dma_start3A, %dma_start3A_35] : memref<25x8x128xi32, #tpu.memory_space<vmem>> -> memref<1x8x128xi32, #tpu.memory_space<vmem>>
      %dma_start3A_37 = tpu.memref_squeeze %dma_start3A_36 : memref<1x8x128xi32, #tpu.memory_space<vmem>> -> memref<8x128xi32, #tpu.memory_space<vmem>>
      %dma_start3A_38 = arith.constant 56 : i32
      %dma_start3A_39 = tpu.memref_slice %arg2[%dma_start3A_38, %mul3A_2] : memref<200x4096xi32, #tpu.memory_space<hbm>> -> memref<8x128xi32, #tpu.memory_space<hbm>>
      %dma_start3A_40 = arith.constant 0 : i32
      %dma_start3A_41 = arith.constant 0 : i32
      %dma_start3A_42 = tpu.memref_slice %arg4[%run_scoped3A_9, %dma_start3A_40, %dma_start3A_41] : memref<25x8x128xi32, #tpu.memory_space<vmem>> -> memref<1x8x128xi32, #tpu.memory_space<vmem>>
      %dma_start3A_43 = tpu.memref_squeeze %dma_start3A_42 : memref<1x8x128xi32, #tpu.memory_space<vmem>> -> memref<8x128xi32, #tpu.memory_space<vmem>>
      %dma_start3A_44 = arith.constant 56 : i32
      %dma_start3A_45 = tpu.memref_slice %arg2[%dma_start3A_44, %mul3A_2] : memref<200x4096xi32, #tpu.memory_space<hbm>> -> memref<8x128xi32, #tpu.memory_space<hbm>>
      tpu.enqueue_dma source(%dma_start3A_45 : memref<8x128xi32, #tpu.memory_space<hbm>>) target(%dma_start3A_43 : memref<8x128xi32, #tpu.memory_space<vmem>>) target_semaphore(%run_scoped3A_34 : memref<!tpu.dma_semaphore, #tpu.memory_space<semaphore_mem>>)
      %dma_wait3A = arith.constant 0 : i32
      %dma_wait3A_46 = arith.constant 0 : i32
      %dma_wait3A_47 = tpu.memref_slice %arg4[%run_scoped3A_9, %dma_wait3A, %dma_wait3A_46] : memref<25x8x128xi32, #tpu.memory_space<vmem>> -> memref<1x8x128xi32, #tpu.memory_space<vmem>>
      %dma_wait3A_48 = tpu.memref_squeeze %dma_wait3A_47 : memref<1x8x128xi32, #tpu.memory_space<vmem>> -> memref<8x128xi32, #tpu.memory_space<vmem>>
      %dma_wait3A_49 = arith.constant 56 : i32
      %dma_wait3A_50 = tpu.memref_slice %arg2[%dma_wait3A_49, %mul3A_2] : memref<200x4096xi32, #tpu.memory_space<hbm>> -> memref<8x128xi32, #tpu.memory_space<hbm>>
      %dma_wait3A_51 = arith.constant 0 : i32
      %dma_wait3A_52 = arith.constant 0 : i32
      %dma_wait3A_53 = tpu.memref_slice %arg4[%run_scoped3A_9, %dma_wait3A_51, %dma_wait3A_52] : memref<25x8x128xi32, #tpu.memory_space<vmem>> -> memref<1x8x128xi32, #tpu.memory_space<vmem>>
      %dma_wait3A_54 = tpu.memref_squeeze %dma_wait3A_53 : memref<1x8x128xi32, #tpu.memory_space<vmem>> -> memref<8x128xi32, #tpu.memory_space<vmem>>
      %dma_wait3A_55 = arith.constant 56 : i32
      %dma_wait3A_56 = tpu.memref_slice %arg2[%dma_wait3A_55, %mul3A_2] : memref<200x4096xi32, #tpu.memory_space<hbm>> -> memref<8x128xi32, #tpu.memory_space<hbm>>
      tpu.wait_dma2 semaphore(%run_scoped3A_34 : memref<!tpu.dma_semaphore, #tpu.memory_space<semaphore_mem>>) src(%dma_wait3A_56 : memref<8x128xi32, #tpu.memory_space<hbm>>) dst(%dma_wait3A_54 : memref<8x128xi32, #tpu.memory_space<vmem>>)
      tpu.yield
    }) : () -> ()
    %run_scoped3A_10 = arith.constant 8 : i32
    "tpu.region"() ({
      %run_scoped3A_34 = tpu.sem_alloc : memref<!tpu.dma_semaphore, #tpu.memory_space<semaphore_mem>>
      %dma_start3A = arith.constant 0 : i32
      %dma_start3A_35 = arith.constant 0 : i32
      %dma_start3A_36 = tpu.memref_slice %arg4[%run_scoped3A_10, %dma_start3A, %dma_start3A_35] : memref<25x8x128xi32, #tpu.memory_space<vmem>> -> memref<1x8x128xi32, #tpu.memory_space<vmem>>
      %dma_start3A_37 = tpu.memref_squeeze %dma_start3A_36 : memref<1x8x128xi32, #tpu.memory_space<vmem>> -> memref<8x128xi32, #tpu.memory_space<vmem>>
      %dma_start3A_38 = arith.constant 64 : i32
      %dma_start3A_39 = tpu.memref_slice %arg2[%dma_start3A_38, %mul3A_2] : memref<200x4096xi32, #tpu.memory_space<hbm>> -> memref<8x128xi32, #tpu.memory_space<hbm>>
      %dma_start3A_40 = arith.constant 0 : i32
      %dma_start3A_41 = arith.constant 0 : i32
      %dma_start3A_42 = tpu.memref_slice %arg4[%run_scoped3A_10, %dma_start3A_40, %dma_start3A_41] : memref<25x8x128xi32, #tpu.memory_space<vmem>> -> memref<1x8x128xi32, #tpu.memory_space<vmem>>
      %dma_start3A_43 = tpu.memref_squeeze %dma_start3A_42 : memref<1x8x128xi32, #tpu.memory_space<vmem>> -> memref<8x128xi32, #tpu.memory_space<vmem>>
      %dma_start3A_44 = arith.constant 64 : i32
      %dma_start3A_45 = tpu.memref_slice %arg2[%dma_start3A_44, %mul3A_2] : memref<200x4096xi32, #tpu.memory_space<hbm>> -> memref<8x128xi32, #tpu.memory_space<hbm>>
      tpu.enqueue_dma source(%dma_start3A_45 : memref<8x128xi32, #tpu.memory_space<hbm>>) target(%dma_start3A_43 : memref<8x128xi32, #tpu.memory_space<vmem>>) target_semaphore(%run_scoped3A_34 : memref<!tpu.dma_semaphore, #tpu.memory_space<semaphore_mem>>)
      %dma_wait3A = arith.constant 0 : i32
      %dma_wait3A_46 = arith.constant 0 : i32
      %dma_wait3A_47 = tpu.memref_slice %arg4[%run_scoped3A_10, %dma_wait3A, %dma_wait3A_46] : memref<25x8x128xi32, #tpu.memory_space<vmem>> -> memref<1x8x128xi32, #tpu.memory_space<vmem>>
      %dma_wait3A_48 = tpu.memref_squeeze %dma_wait3A_47 : memref<1x8x128xi32, #tpu.memory_space<vmem>> -> memref<8x128xi32, #tpu.memory_space<vmem>>
      %dma_wait3A_49 = arith.constant 64 : i32
      %dma_wait3A_50 = tpu.memref_slice %arg2[%dma_wait3A_49, %mul3A_2] : memref<200x4096xi32, #tpu.memory_space<hbm>> -> memref<8x128xi32, #tpu.memory_space<hbm>>
      %dma_wait3A_51 = arith.constant 0 : i32
      %dma_wait3A_52 = arith.constant 0 : i32
      %dma_wait3A_53 = tpu.memref_slice %arg4[%run_scoped3A_10, %dma_wait3A_51, %dma_wait3A_52] : memref<25x8x128xi32, #tpu.memory_space<vmem>> -> memref<1x8x128xi32, #tpu.memory_space<vmem>>
      %dma_wait3A_54 = tpu.memref_squeeze %dma_wait3A_53 : memref<1x8x128xi32, #tpu.memory_space<vmem>> -> memref<8x128xi32, #tpu.memory_space<vmem>>
      %dma_wait3A_55 = arith.constant 64 : i32
      %dma_wait3A_56 = tpu.memref_slice %arg2[%dma_wait3A_55, %mul3A_2] : memref<200x4096xi32, #tpu.memory_space<hbm>> -> memref<8x128xi32, #tpu.memory_space<hbm>>
      tpu.wait_dma2 semaphore(%run_scoped3A_34 : memref<!tpu.dma_semaphore, #tpu.memory_space<semaphore_mem>>) src(%dma_wait3A_56 : memref<8x128xi32, #tpu.memory_space<hbm>>) dst(%dma_wait3A_54 : memref<8x128xi32, #tpu.memory_space<vmem>>)
      tpu.yield
    }) : () -> ()
    %run_scoped3A_11 = arith.constant 9 : i32
    "tpu.region"() ({
      %run_scoped3A_34 = tpu.sem_alloc : memref<!tpu.dma_semaphore, #tpu.memory_space<semaphore_mem>>
      %dma_start3A = arith.constant 0 : i32
      %dma_start3A_35 = arith.constant 0 : i32
      %dma_start3A_36 = tpu.memref_slice %arg4[%run_scoped3A_11, %dma_start3A, %dma_start3A_35] : memref<25x8x128xi32, #tpu.memory_space<vmem>> -> memref<1x8x128xi32, #tpu.memory_space<vmem>>
      %dma_start3A_37 = tpu.memref_squeeze %dma_start3A_36 : memref<1x8x128xi32, #tpu.memory_space<vmem>> -> memref<8x128xi32, #tpu.memory_space<vmem>>
      %dma_start3A_38 = arith.constant 72 : i32
      %dma_start3A_39 = tpu.memref_slice %arg2[%dma_start3A_38, %mul3A_2] : memref<200x4096xi32, #tpu.memory_space<hbm>> -> memref<8x128xi32, #tpu.memory_space<hbm>>
      %dma_start3A_40 = arith.constant 0 : i32
      %dma_start3A_41 = arith.constant 0 : i32
      %dma_start3A_42 = tpu.memref_slice %arg4[%run_scoped3A_11, %dma_start3A_40, %dma_start3A_41] : memref<25x8x128xi32, #tpu.memory_space<vmem>> -> memref<1x8x128xi32, #tpu.memory_space<vmem>>
      %dma_start3A_43 = tpu.memref_squeeze %dma_start3A_42 : memref<1x8x128xi32, #tpu.memory_space<vmem>> -> memref<8x128xi32, #tpu.memory_space<vmem>>
      %dma_start3A_44 = arith.constant 72 : i32
      %dma_start3A_45 = tpu.memref_slice %arg2[%dma_start3A_44, %mul3A_2] : memref<200x4096xi32, #tpu.memory_space<hbm>> -> memref<8x128xi32, #tpu.memory_space<hbm>>
      tpu.enqueue_dma source(%dma_start3A_45 : memref<8x128xi32, #tpu.memory_space<hbm>>) target(%dma_start3A_43 : memref<8x128xi32, #tpu.memory_space<vmem>>) target_semaphore(%run_scoped3A_34 : memref<!tpu.dma_semaphore, #tpu.memory_space<semaphore_mem>>)
      %dma_wait3A = arith.constant 0 : i32
      %dma_wait3A_46 = arith.constant 0 : i32
      %dma_wait3A_47 = tpu.memref_slice %arg4[%run_scoped3A_11, %dma_wait3A, %dma_wait3A_46] : memref<25x8x128xi32, #tpu.memory_space<vmem>> -> memref<1x8x128xi32, #tpu.memory_space<vmem>>
      %dma_wait3A_48 = tpu.memref_squeeze %dma_wait3A_47 : memref<1x8x128xi32, #tpu.memory_space<vmem>> -> memref<8x128xi32, #tpu.memory_space<vmem>>
      %dma_wait3A_49 = arith.constant 72 : i32
      %dma_wait3A_50 = tpu.memref_slice %arg2[%dma_wait3A_49, %mul3A_2] : memref<200x4096xi32, #tpu.memory_space<hbm>> -> memref<8x128xi32, #tpu.memory_space<hbm>>
      %dma_wait3A_51 = arith.constant 0 : i32
      %dma_wait3A_52 = arith.constant 0 : i32
      %dma_wait3A_53 = tpu.memref_slice %arg4[%run_scoped3A_11, %dma_wait3A_51, %dma_wait3A_52] : memref<25x8x128xi32, #tpu.memory_space<vmem>> -> memref<1x8x128xi32, #tpu.memory_space<vmem>>
      %dma_wait3A_54 = tpu.memref_squeeze %dma_wait3A_53 : memref<1x8x128xi32, #tpu.memory_space<vmem>> -> memref<8x128xi32, #tpu.memory_space<vmem>>
      %dma_wait3A_55 = arith.constant 72 : i32
      %dma_wait3A_56 = tpu.memref_slice %arg2[%dma_wait3A_55, %mul3A_2] : memref<200x4096xi32, #tpu.memory_space<hbm>> -> memref<8x128xi32, #tpu.memory_space<hbm>>
      tpu.wait_dma2 semaphore(%run_scoped3A_34 : memref<!tpu.dma_semaphore, #tpu.memory_space<semaphore_mem>>) src(%dma_wait3A_56 : memref<8x128xi32, #tpu.memory_space<hbm>>) dst(%dma_wait3A_54 : memref<8x128xi32, #tpu.memory_space<vmem>>)
      tpu.yield
    }) : () -> ()
    %run_scoped3A_12 = arith.constant 10 : i32
    "tpu.region"() ({
      %run_scoped3A_34 = tpu.sem_alloc : memref<!tpu.dma_semaphore, #tpu.memory_space<semaphore_mem>>
      %dma_start3A = arith.constant 0 : i32
      %dma_start3A_35 = arith.constant 0 : i32
      %dma_start3A_36 = tpu.memref_slice %arg4[%run_scoped3A_12, %dma_start3A, %dma_start3A_35] : memref<25x8x128xi32, #tpu.memory_space<vmem>> -> memref<1x8x128xi32, #tpu.memory_space<vmem>>
      %dma_start3A_37 = tpu.memref_squeeze %dma_start3A_36 : memref<1x8x128xi32, #tpu.memory_space<vmem>> -> memref<8x128xi32, #tpu.memory_space<vmem>>
      %dma_start3A_38 = arith.constant 80 : i32
      %dma_start3A_39 = tpu.memref_slice %arg2[%dma_start3A_38, %mul3A_2] : memref<200x4096xi32, #tpu.memory_space<hbm>> -> memref<8x128xi32, #tpu.memory_space<hbm>>
      %dma_start3A_40 = arith.constant 0 : i32
      %dma_start3A_41 = arith.constant 0 : i32
      %dma_start3A_42 = tpu.memref_slice %arg4[%run_scoped3A_12, %dma_start3A_40, %dma_start3A_41] : memref<25x8x128xi32, #tpu.memory_space<vmem>> -> memref<1x8x128xi32, #tpu.memory_space<vmem>>
      %dma_start3A_43 = tpu.memref_squeeze %dma_start3A_42 : memref<1x8x128xi32, #tpu.memory_space<vmem>> -> memref<8x128xi32, #tpu.memory_space<vmem>>
      %dma_start3A_44 = arith.constant 80 : i32
      %dma_start3A_45 = tpu.memref_slice %arg2[%dma_start3A_44, %mul3A_2] : memref<200x4096xi32, #tpu.memory_space<hbm>> -> memref<8x128xi32, #tpu.memory_space<hbm>>
      tpu.enqueue_dma source(%dma_start3A_45 : memref<8x128xi32, #tpu.memory_space<hbm>>) target(%dma_start3A_43 : memref<8x128xi32, #tpu.memory_space<vmem>>) target_semaphore(%run_scoped3A_34 : memref<!tpu.dma_semaphore, #tpu.memory_space<semaphore_mem>>)
      %dma_wait3A = arith.constant 0 : i32
      %dma_wait3A_46 = arith.constant 0 : i32
      %dma_wait3A_47 = tpu.memref_slice %arg4[%run_scoped3A_12, %dma_wait3A, %dma_wait3A_46] : memref<25x8x128xi32, #tpu.memory_space<vmem>> -> memref<1x8x128xi32, #tpu.memory_space<vmem>>
      %dma_wait3A_48 = tpu.memref_squeeze %dma_wait3A_47 : memref<1x8x128xi32, #tpu.memory_space<vmem>> -> memref<8x128xi32, #tpu.memory_space<vmem>>
      %dma_wait3A_49 = arith.constant 80 : i32
      %dma_wait3A_50 = tpu.memref_slice %arg2[%dma_wait3A_49, %mul3A_2] : memref<200x4096xi32, #tpu.memory_space<hbm>> -> memref<8x128xi32, #tpu.memory_space<hbm>>
      %dma_wait3A_51 = arith.constant 0 : i32
      %dma_wait3A_52 = arith.constant 0 : i32
      %dma_wait3A_53 = tpu.memref_slice %arg4[%run_scoped3A_12, %dma_wait3A_51, %dma_wait3A_52] : memref<25x8x128xi32, #tpu.memory_space<vmem>> -> memref<1x8x128xi32, #tpu.memory_space<vmem>>
      %dma_wait3A_54 = tpu.memref_squeeze %dma_wait3A_53 : memref<1x8x128xi32, #tpu.memory_space<vmem>> -> memref<8x128xi32, #tpu.memory_space<vmem>>
      %dma_wait3A_55 = arith.constant 80 : i32
      %dma_wait3A_56 = tpu.memref_slice %arg2[%dma_wait3A_55, %mul3A_2] : memref<200x4096xi32, #tpu.memory_space<hbm>> -> memref<8x128xi32, #tpu.memory_space<hbm>>
      tpu.wait_dma2 semaphore(%run_scoped3A_34 : memref<!tpu.dma_semaphore, #tpu.memory_space<semaphore_mem>>) src(%dma_wait3A_56 : memref<8x128xi32, #tpu.memory_space<hbm>>) dst(%dma_wait3A_54 : memref<8x128xi32, #tpu.memory_space<vmem>>)
      tpu.yield
    }) : () -> ()
    %run_scoped3A_13 = arith.constant 11 : i32
    "tpu.region"() ({
      %run_scoped3A_34 = tpu.sem_alloc : memref<!tpu.dma_semaphore, #tpu.memory_space<semaphore_mem>>
      %dma_start3A = arith.constant 0 : i32
      %dma_start3A_35 = arith.constant 0 : i32
      %dma_start3A_36 = tpu.memref_slice %arg4[%run_scoped3A_13, %dma_start3A, %dma_start3A_35] : memref<25x8x128xi32, #tpu.memory_space<vmem>> -> memref<1x8x128xi32, #tpu.memory_space<vmem>>
      %dma_start3A_37 = tpu.memref_squeeze %dma_start3A_36 : memref<1x8x128xi32, #tpu.memory_space<vmem>> -> memref<8x128xi32, #tpu.memory_space<vmem>>
      %dma_start3A_38 = arith.constant 88 : i32
      %dma_start3A_39 = tpu.memref_slice %arg2[%dma_start3A_38, %mul3A_2] : memref<200x4096xi32, #tpu.memory_space<hbm>> -> memref<8x128xi32, #tpu.memory_space<hbm>>
      %dma_start3A_40 = arith.constant 0 : i32
      %dma_start3A_41 = arith.constant 0 : i32
      %dma_start3A_42 = tpu.memref_slice %arg4[%run_scoped3A_13, %dma_start3A_40, %dma_start3A_41] : memref<25x8x128xi32, #tpu.memory_space<vmem>> -> memref<1x8x128xi32, #tpu.memory_space<vmem>>
      %dma_start3A_43 = tpu.memref_squeeze %dma_start3A_42 : memref<1x8x128xi32, #tpu.memory_space<vmem>> -> memref<8x128xi32, #tpu.memory_space<vmem>>
      %dma_start3A_44 = arith.constant 88 : i32
      %dma_start3A_45 = tpu.memref_slice %arg2[%dma_start3A_44, %mul3A_2] : memref<200x4096xi32, #tpu.memory_space<hbm>> -> memref<8x128xi32, #tpu.memory_space<hbm>>
      tpu.enqueue_dma source(%dma_start3A_45 : memref<8x128xi32, #tpu.memory_space<hbm>>) target(%dma_start3A_43 : memref<8x128xi32, #tpu.memory_space<vmem>>) target_semaphore(%run_scoped3A_34 : memref<!tpu.dma_semaphore, #tpu.memory_space<semaphore_mem>>)
      %dma_wait3A = arith.constant 0 : i32
      %dma_wait3A_46 = arith.constant 0 : i32
      %dma_wait3A_47 = tpu.memref_slice %arg4[%run_scoped3A_13, %dma_wait3A, %dma_wait3A_46] : memref<25x8x128xi32, #tpu.memory_space<vmem>> -> memref<1x8x128xi32, #tpu.memory_space<vmem>>
      %dma_wait3A_48 = tpu.memref_squeeze %dma_wait3A_47 : memref<1x8x128xi32, #tpu.memory_space<vmem>> -> memref<8x128xi32, #tpu.memory_space<vmem>>
      %dma_wait3A_49 = arith.constant 88 : i32
      %dma_wait3A_50 = tpu.memref_slice %arg2[%dma_wait3A_49, %mul3A_2] : memref<200x4096xi32, #tpu.memory_space<hbm>> -> memref<8x128xi32, #tpu.memory_space<hbm>>
      %dma_wait3A_51 = arith.constant 0 : i32
      %dma_wait3A_52 = arith.constant 0 : i32
      %dma_wait3A_53 = tpu.memref_slice %arg4[%run_scoped3A_13, %dma_wait3A_51, %dma_wait3A_52] : memref<25x8x128xi32, #tpu.memory_space<vmem>> -> memref<1x8x128xi32, #tpu.memory_space<vmem>>
      %dma_wait3A_54 = tpu.memref_squeeze %dma_wait3A_53 : memref<1x8x128xi32, #tpu.memory_space<vmem>> -> memref<8x128xi32, #tpu.memory_space<vmem>>
      %dma_wait3A_55 = arith.constant 88 : i32
      %dma_wait3A_56 = tpu.memref_slice %arg2[%dma_wait3A_55, %mul3A_2] : memref<200x4096xi32, #tpu.memory_space<hbm>> -> memref<8x128xi32, #tpu.memory_space<hbm>>
      tpu.wait_dma2 semaphore(%run_scoped3A_34 : memref<!tpu.dma_semaphore, #tpu.memory_space<semaphore_mem>>) src(%dma_wait3A_56 : memref<8x128xi32, #tpu.memory_space<hbm>>) dst(%dma_wait3A_54 : memref<8x128xi32, #tpu.memory_space<vmem>>)
      tpu.yield
    }) : () -> ()
    %run_scoped3A_14 = arith.constant 12 : i32
    "tpu.region"() ({
      %run_scoped3A_34 = tpu.sem_alloc : memref<!tpu.dma_semaphore, #tpu.memory_space<semaphore_mem>>
      %dma_start3A = arith.constant 0 : i32
      %dma_start3A_35 = arith.constant 0 : i32
      %dma_start3A_36 = tpu.memref_slice %arg4[%run_scoped3A_14, %dma_start3A, %dma_start3A_35] : memref<25x8x128xi32, #tpu.memory_space<vmem>> -> memref<1x8x128xi32, #tpu.memory_space<vmem>>
      %dma_start3A_37 = tpu.memref_squeeze %dma_start3A_36 : memref<1x8x128xi32, #tpu.memory_space<vmem>> -> memref<8x128xi32, #tpu.memory_space<vmem>>
      %dma_start3A_38 = arith.constant 96 : i32
      %dma_start3A_39 = tpu.memref_slice %arg2[%dma_start3A_38, %mul3A_2] : memref<200x4096xi32, #tpu.memory_space<hbm>> -> memref<8x128xi32, #tpu.memory_space<hbm>>
      %dma_start3A_40 = arith.constant 0 : i32
      %dma_start3A_41 = arith.constant 0 : i32
      %dma_start3A_42 = tpu.memref_slice %arg4[%run_scoped3A_14, %dma_start3A_40, %dma_start3A_41] : memref<25x8x128xi32, #tpu.memory_space<vmem>> -> memref<1x8x128xi32, #tpu.memory_space<vmem>>
      %dma_start3A_43 = tpu.memref_squeeze %dma_start3A_42 : memref<1x8x128xi32, #tpu.memory_space<vmem>> -> memref<8x128xi32, #tpu.memory_space<vmem>>
      %dma_start3A_44 = arith.constant 96 : i32
      %dma_start3A_45 = tpu.memref_slice %arg2[%dma_start3A_44, %mul3A_2] : memref<200x4096xi32, #tpu.memory_space<hbm>> -> memref<8x128xi32, #tpu.memory_space<hbm>>
      tpu.enqueue_dma source(%dma_start3A_45 : memref<8x128xi32, #tpu.memory_space<hbm>>) target(%dma_start3A_43 : memref<8x128xi32, #tpu.memory_space<vmem>>) target_semaphore(%run_scoped3A_34 : memref<!tpu.dma_semaphore, #tpu.memory_space<semaphore_mem>>)
      %dma_wait3A = arith.constant 0 : i32
      %dma_wait3A_46 = arith.constant 0 : i32
      %dma_wait3A_47 = tpu.memref_slice %arg4[%run_scoped3A_14, %dma_wait3A, %dma_wait3A_46] : memref<25x8x128xi32, #tpu.memory_space<vmem>> -> memref<1x8x128xi32, #tpu.memory_space<vmem>>
      %dma_wait3A_48 = tpu.memref_squeeze %dma_wait3A_47 : memref<1x8x128xi32, #tpu.memory_space<vmem>> -> memref<8x128xi32, #tpu.memory_space<vmem>>
      %dma_wait3A_49 = arith.constant 96 : i32
      %dma_wait3A_50 = tpu.memref_slice %arg2[%dma_wait3A_49, %mul3A_2] : memref<200x4096xi32, #tpu.memory_space<hbm>> -> memref<8x128xi32, #tpu.memory_space<hbm>>
      %dma_wait3A_51 = arith.constant 0 : i32
      %dma_wait3A_52 = arith.constant 0 : i32
      %dma_wait3A_53 = tpu.memref_slice %arg4[%run_scoped3A_14, %dma_wait3A_51, %dma_wait3A_52] : memref<25x8x128xi32, #tpu.memory_space<vmem>> -> memref<1x8x128xi32, #tpu.memory_space<vmem>>
      %dma_wait3A_54 = tpu.memref_squeeze %dma_wait3A_53 : memref<1x8x128xi32, #tpu.memory_space<vmem>> -> memref<8x128xi32, #tpu.memory_space<vmem>>
      %dma_wait3A_55 = arith.constant 96 : i32
      %dma_wait3A_56 = tpu.memref_slice %arg2[%dma_wait3A_55, %mul3A_2] : memref<200x4096xi32, #tpu.memory_space<hbm>> -> memref<8x128xi32, #tpu.memory_space<hbm>>
      tpu.wait_dma2 semaphore(%run_scoped3A_34 : memref<!tpu.dma_semaphore, #tpu.memory_space<semaphore_mem>>) src(%dma_wait3A_56 : memref<8x128xi32, #tpu.memory_space<hbm>>) dst(%dma_wait3A_54 : memref<8x128xi32, #tpu.memory_space<vmem>>)
      tpu.yield
    }) : () -> ()
    %run_scoped3A_15 = arith.constant 13 : i32
    "tpu.region"() ({
      %run_scoped3A_34 = tpu.sem_alloc : memref<!tpu.dma_semaphore, #tpu.memory_space<semaphore_mem>>
      %dma_start3A = arith.constant 0 : i32
      %dma_start3A_35 = arith.constant 0 : i32
      %dma_start3A_36 = tpu.memref_slice %arg4[%run_scoped3A_15, %dma_start3A, %dma_start3A_35] : memref<25x8x128xi32, #tpu.memory_space<vmem>> -> memref<1x8x128xi32, #tpu.memory_space<vmem>>
      %dma_start3A_37 = tpu.memref_squeeze %dma_start3A_36 : memref<1x8x128xi32, #tpu.memory_space<vmem>> -> memref<8x128xi32, #tpu.memory_space<vmem>>
      %dma_start3A_38 = arith.constant 104 : i32
      %dma_start3A_39 = tpu.memref_slice %arg2[%dma_start3A_38, %mul3A_2] : memref<200x4096xi32, #tpu.memory_space<hbm>> -> memref<8x128xi32, #tpu.memory_space<hbm>>
      %dma_start3A_40 = arith.constant 0 : i32
      %dma_start3A_41 = arith.constant 0 : i32
      %dma_start3A_42 = tpu.memref_slice %arg4[%run_scoped3A_15, %dma_start3A_40, %dma_start3A_41] : memref<25x8x128xi32, #tpu.memory_space<vmem>> -> memref<1x8x128xi32, #tpu.memory_space<vmem>>
      %dma_start3A_43 = tpu.memref_squeeze %dma_start3A_42 : memref<1x8x128xi32, #tpu.memory_space<vmem>> -> memref<8x128xi32, #tpu.memory_space<vmem>>
      %dma_start3A_44 = arith.constant 104 : i32
      %dma_start3A_45 = tpu.memref_slice %arg2[%dma_start3A_44, %mul3A_2] : memref<200x4096xi32, #tpu.memory_space<hbm>> -> memref<8x128xi32, #tpu.memory_space<hbm>>
      tpu.enqueue_dma source(%dma_start3A_45 : memref<8x128xi32, #tpu.memory_space<hbm>>) target(%dma_start3A_43 : memref<8x128xi32, #tpu.memory_space<vmem>>) target_semaphore(%run_scoped3A_34 : memref<!tpu.dma_semaphore, #tpu.memory_space<semaphore_mem>>)
      %dma_wait3A = arith.constant 0 : i32
      %dma_wait3A_46 = arith.constant 0 : i32
      %dma_wait3A_47 = tpu.memref_slice %arg4[%run_scoped3A_15, %dma_wait3A, %dma_wait3A_46] : memref<25x8x128xi32, #tpu.memory_space<vmem>> -> memref<1x8x128xi32, #tpu.memory_space<vmem>>
      %dma_wait3A_48 = tpu.memref_squeeze %dma_wait3A_47 : memref<1x8x128xi32, #tpu.memory_space<vmem>> -> memref<8x128xi32, #tpu.memory_space<vmem>>
      %dma_wait3A_49 = arith.constant 104 : i32
      %dma_wait3A_50 = tpu.memref_slice %arg2[%dma_wait3A_49, %mul3A_2] : memref<200x4096xi32, #tpu.memory_space<hbm>> -> memref<8x128xi32, #tpu.memory_space<hbm>>
      %dma_wait3A_51 = arith.constant 0 : i32
      %dma_wait3A_52 = arith.constant 0 : i32
      %dma_wait3A_53 = tpu.memref_slice %arg4[%run_scoped3A_15, %dma_wait3A_51, %dma_wait3A_52] : memref<25x8x128xi32, #tpu.memory_space<vmem>> -> memref<1x8x128xi32, #tpu.memory_space<vmem>>
      %dma_wait3A_54 = tpu.memref_squeeze %dma_wait3A_53 : memref<1x8x128xi32, #tpu.memory_space<vmem>> -> memref<8x128xi32, #tpu.memory_space<vmem>>
      %dma_wait3A_55 = arith.constant 104 : i32
      %dma_wait3A_56 = tpu.memref_slice %arg2[%dma_wait3A_55, %mul3A_2] : memref<200x4096xi32, #tpu.memory_space<hbm>> -> memref<8x128xi32, #tpu.memory_space<hbm>>
      tpu.wait_dma2 semaphore(%run_scoped3A_34 : memref<!tpu.dma_semaphore, #tpu.memory_space<semaphore_mem>>) src(%dma_wait3A_56 : memref<8x128xi32, #tpu.memory_space<hbm>>) dst(%dma_wait3A_54 : memref<8x128xi32, #tpu.memory_space<vmem>>)
      tpu.yield
    }) : () -> ()
    %run_scoped3A_16 = arith.constant 14 : i32
    "tpu.region"() ({
      %run_scoped3A_34 = tpu.sem_alloc : memref<!tpu.dma_semaphore, #tpu.memory_space<semaphore_mem>>
      %dma_start3A = arith.constant 0 : i32
      %dma_start3A_35 = arith.constant 0 : i32
      %dma_start3A_36 = tpu.memref_slice %arg4[%run_scoped3A_16, %dma_start3A, %dma_start3A_35] : memref<25x8x128xi32, #tpu.memory_space<vmem>> -> memref<1x8x128xi32, #tpu.memory_space<vmem>>
      %dma_start3A_37 = tpu.memref_squeeze %dma_start3A_36 : memref<1x8x128xi32, #tpu.memory_space<vmem>> -> memref<8x128xi32, #tpu.memory_space<vmem>>
      %dma_start3A_38 = arith.constant 112 : i32
      %dma_start3A_39 = tpu.memref_slice %arg2[%dma_start3A_38, %mul3A_2] : memref<200x4096xi32, #tpu.memory_space<hbm>> -> memref<8x128xi32, #tpu.memory_space<hbm>>
      %dma_start3A_40 = arith.constant 0 : i32
      %dma_start3A_41 = arith.constant 0 : i32
      %dma_start3A_42 = tpu.memref_slice %arg4[%run_scoped3A_16, %dma_start3A_40, %dma_start3A_41] : memref<25x8x128xi32, #tpu.memory_space<vmem>> -> memref<1x8x128xi32, #tpu.memory_space<vmem>>
      %dma_start3A_43 = tpu.memref_squeeze %dma_start3A_42 : memref<1x8x128xi32, #tpu.memory_space<vmem>> -> memref<8x128xi32, #tpu.memory_space<vmem>>
      %dma_start3A_44 = arith.constant 112 : i32
      %dma_start3A_45 = tpu.memref_slice %arg2[%dma_start3A_44, %mul3A_2] : memref<200x4096xi32, #tpu.memory_space<hbm>> -> memref<8x128xi32, #tpu.memory_space<hbm>>
      tpu.enqueue_dma source(%dma_start3A_45 : memref<8x128xi32, #tpu.memory_space<hbm>>) target(%dma_start3A_43 : memref<8x128xi32, #tpu.memory_space<vmem>>) target_semaphore(%run_scoped3A_34 : memref<!tpu.dma_semaphore, #tpu.memory_space<semaphore_mem>>)
      %dma_wait3A = arith.constant 0 : i32
      %dma_wait3A_46 = arith.constant 0 : i32
      %dma_wait3A_47 = tpu.memref_slice %arg4[%run_scoped3A_16, %dma_wait3A, %dma_wait3A_46] : memref<25x8x128xi32, #tpu.memory_space<vmem>> -> memref<1x8x128xi32, #tpu.memory_space<vmem>>
      %dma_wait3A_48 = tpu.memref_squeeze %dma_wait3A_47 : memref<1x8x128xi32, #tpu.memory_space<vmem>> -> memref<8x128xi32, #tpu.memory_space<vmem>>
      %dma_wait3A_49 = arith.constant 112 : i32
      %dma_wait3A_50 = tpu.memref_slice %arg2[%dma_wait3A_49, %mul3A_2] : memref<200x4096xi32, #tpu.memory_space<hbm>> -> memref<8x128xi32, #tpu.memory_space<hbm>>
      %dma_wait3A_51 = arith.constant 0 : i32
      %dma_wait3A_52 = arith.constant 0 : i32
      %dma_wait3A_53 = tpu.memref_slice %arg4[%run_scoped3A_16, %dma_wait3A_51, %dma_wait3A_52] : memref<25x8x128xi32, #tpu.memory_space<vmem>> -> memref<1x8x128xi32, #tpu.memory_space<vmem>>
      %dma_wait3A_54 = tpu.memref_squeeze %dma_wait3A_53 : memref<1x8x128xi32, #tpu.memory_space<vmem>> -> memref<8x128xi32, #tpu.memory_space<vmem>>
      %dma_wait3A_55 = arith.constant 112 : i32
      %dma_wait3A_56 = tpu.memref_slice %arg2[%dma_wait3A_55, %mul3A_2] : memref<200x4096xi32, #tpu.memory_space<hbm>> -> memref<8x128xi32, #tpu.memory_space<hbm>>
      tpu.wait_dma2 semaphore(%run_scoped3A_34 : memref<!tpu.dma_semaphore, #tpu.memory_space<semaphore_mem>>) src(%dma_wait3A_56 : memref<8x128xi32, #tpu.memory_space<hbm>>) dst(%dma_wait3A_54 : memref<8x128xi32, #tpu.memory_space<vmem>>)
      tpu.yield
    }) : () -> ()
    %run_scoped3A_17 = arith.constant 15 : i32
    "tpu.region"() ({
      %run_scoped3A_34 = tpu.sem_alloc : memref<!tpu.dma_semaphore, #tpu.memory_space<semaphore_mem>>
      %dma_start3A = arith.constant 0 : i32
      %dma_start3A_35 = arith.constant 0 : i32
      %dma_start3A_36 = tpu.memref_slice %arg4[%run_scoped3A_17, %dma_start3A, %dma_start3A_35] : memref<25x8x128xi32, #tpu.memory_space<vmem>> -> memref<1x8x128xi32, #tpu.memory_space<vmem>>
      %dma_start3A_37 = tpu.memref_squeeze %dma_start3A_36 : memref<1x8x128xi32, #tpu.memory_space<vmem>> -> memref<8x128xi32, #tpu.memory_space<vmem>>
      %dma_start3A_38 = arith.constant 120 : i32
      %dma_start3A_39 = tpu.memref_slice %arg2[%dma_start3A_38, %mul3A_2] : memref<200x4096xi32, #tpu.memory_space<hbm>> -> memref<8x128xi32, #tpu.memory_space<hbm>>
      %dma_start3A_40 = arith.constant 0 : i32
      %dma_start3A_41 = arith.constant 0 : i32
      %dma_start3A_42 = tpu.memref_slice %arg4[%run_scoped3A_17, %dma_start3A_40, %dma_start3A_41] : memref<25x8x128xi32, #tpu.memory_space<vmem>> -> memref<1x8x128xi32, #tpu.memory_space<vmem>>
      %dma_start3A_43 = tpu.memref_squeeze %dma_start3A_42 : memref<1x8x128xi32, #tpu.memory_space<vmem>> -> memref<8x128xi32, #tpu.memory_space<vmem>>
      %dma_start3A_44 = arith.constant 120 : i32
      %dma_start3A_45 = tpu.memref_slice %arg2[%dma_start3A_44, %mul3A_2] : memref<200x4096xi32, #tpu.memory_space<hbm>> -> memref<8x128xi32, #tpu.memory_space<hbm>>
      tpu.enqueue_dma source(%dma_start3A_45 : memref<8x128xi32, #tpu.memory_space<hbm>>) target(%dma_start3A_43 : memref<8x128xi32, #tpu.memory_space<vmem>>) target_semaphore(%run_scoped3A_34 : memref<!tpu.dma_semaphore, #tpu.memory_space<semaphore_mem>>)
      %dma_wait3A = arith.constant 0 : i32
      %dma_wait3A_46 = arith.constant 0 : i32
      %dma_wait3A_47 = tpu.memref_slice %arg4[%run_scoped3A_17, %dma_wait3A, %dma_wait3A_46] : memref<25x8x128xi32, #tpu.memory_space<vmem>> -> memref<1x8x128xi32, #tpu.memory_space<vmem>>
      %dma_wait3A_48 = tpu.memref_squeeze %dma_wait3A_47 : memref<1x8x128xi32, #tpu.memory_space<vmem>> -> memref<8x128xi32, #tpu.memory_space<vmem>>
      %dma_wait3A_49 = arith.constant 120 : i32
      %dma_wait3A_50 = tpu.memref_slice %arg2[%dma_wait3A_49, %mul3A_2] : memref<200x4096xi32, #tpu.memory_space<hbm>> -> memref<8x128xi32, #tpu.memory_space<hbm>>
      %dma_wait3A_51 = arith.constant 0 : i32
      %dma_wait3A_52 = arith.constant 0 : i32
      %dma_wait3A_53 = tpu.memref_slice %arg4[%run_scoped3A_17, %dma_wait3A_51, %dma_wait3A_52] : memref<25x8x128xi32, #tpu.memory_space<vmem>> -> memref<1x8x128xi32, #tpu.memory_space<vmem>>
      %dma_wait3A_54 = tpu.memref_squeeze %dma_wait3A_53 : memref<1x8x128xi32, #tpu.memory_space<vmem>> -> memref<8x128xi32, #tpu.memory_space<vmem>>
      %dma_wait3A_55 = arith.constant 120 : i32
      %dma_wait3A_56 = tpu.memref_slice %arg2[%dma_wait3A_55, %mul3A_2] : memref<200x4096xi32, #tpu.memory_space<hbm>> -> memref<8x128xi32, #tpu.memory_space<hbm>>
      tpu.wait_dma2 semaphore(%run_scoped3A_34 : memref<!tpu.dma_semaphore, #tpu.memory_space<semaphore_mem>>) src(%dma_wait3A_56 : memref<8x128xi32, #tpu.memory_space<hbm>>) dst(%dma_wait3A_54 : memref<8x128xi32, #tpu.memory_space<vmem>>)
      tpu.yield
    }) : () -> ()
    %run_scoped3A_18 = arith.constant 16 : i32
    "tpu.region"() ({
      %run_scoped3A_34 = tpu.sem_alloc : memref<!tpu.dma_semaphore, #tpu.memory_space<semaphore_mem>>
      %dma_start3A = arith.constant 0 : i32
      %dma_start3A_35 = arith.constant 0 : i32
      %dma_start3A_36 = tpu.memref_slice %arg4[%run_scoped3A_18, %dma_start3A, %dma_start3A_35] : memref<25x8x128xi32, #tpu.memory_space<vmem>> -> memref<1x8x128xi32, #tpu.memory_space<vmem>>
      %dma_start3A_37 = tpu.memref_squeeze %dma_start3A_36 : memref<1x8x128xi32, #tpu.memory_space<vmem>> -> memref<8x128xi32, #tpu.memory_space<vmem>>
      %dma_start3A_38 = arith.constant 128 : i32
      %dma_start3A_39 = tpu.memref_slice %arg2[%dma_start3A_38, %mul3A_2] : memref<200x4096xi32, #tpu.memory_space<hbm>> -> memref<8x128xi32, #tpu.memory_space<hbm>>
      %dma_start3A_40 = arith.constant 0 : i32
      %dma_start3A_41 = arith.constant 0 : i32
      %dma_start3A_42 = tpu.memref_slice %arg4[%run_scoped3A_18, %dma_start3A_40, %dma_start3A_41] : memref<25x8x128xi32, #tpu.memory_space<vmem>> -> memref<1x8x128xi32, #tpu.memory_space<vmem>>
      %dma_start3A_43 = tpu.memref_squeeze %dma_start3A_42 : memref<1x8x128xi32, #tpu.memory_space<vmem>> -> memref<8x128xi32, #tpu.memory_space<vmem>>
      %dma_start3A_44 = arith.constant 128 : i32
      %dma_start3A_45 = tpu.memref_slice %arg2[%dma_start3A_44, %mul3A_2] : memref<200x4096xi32, #tpu.memory_space<hbm>> -> memref<8x128xi32, #tpu.memory_space<hbm>>
      tpu.enqueue_dma source(%dma_start3A_45 : memref<8x128xi32, #tpu.memory_space<hbm>>) target(%dma_start3A_43 : memref<8x128xi32, #tpu.memory_space<vmem>>) target_semaphore(%run_scoped3A_34 : memref<!tpu.dma_semaphore, #tpu.memory_space<semaphore_mem>>)
      %dma_wait3A = arith.constant 0 : i32
      %dma_wait3A_46 = arith.constant 0 : i32
      %dma_wait3A_47 = tpu.memref_slice %arg4[%run_scoped3A_18, %dma_wait3A, %dma_wait3A_46] : memref<25x8x128xi32, #tpu.memory_space<vmem>> -> memref<1x8x128xi32, #tpu.memory_space<vmem>>
      %dma_wait3A_48 = tpu.memref_squeeze %dma_wait3A_47 : memref<1x8x128xi32, #tpu.memory_space<vmem>> -> memref<8x128xi32, #tpu.memory_space<vmem>>
      %dma_wait3A_49 = arith.constant 128 : i32
      %dma_wait3A_50 = tpu.memref_slice %arg2[%dma_wait3A_49, %mul3A_2] : memref<200x4096xi32, #tpu.memory_space<hbm>> -> memref<8x128xi32, #tpu.memory_space<hbm>>
      %dma_wait3A_51 = arith.constant 0 : i32
      %dma_wait3A_52 = arith.constant 0 : i32
      %dma_wait3A_53 = tpu.memref_slice %arg4[%run_scoped3A_18, %dma_wait3A_51, %dma_wait3A_52] : memref<25x8x128xi32, #tpu.memory_space<vmem>> -> memref<1x8x128xi32, #tpu.memory_space<vmem>>
      %dma_wait3A_54 = tpu.memref_squeeze %dma_wait3A_53 : memref<1x8x128xi32, #tpu.memory_space<vmem>> -> memref<8x128xi32, #tpu.memory_space<vmem>>
      %dma_wait3A_55 = arith.constant 128 : i32
      %dma_wait3A_56 = tpu.memref_slice %arg2[%dma_wait3A_55, %mul3A_2] : memref<200x4096xi32, #tpu.memory_space<hbm>> -> memref<8x128xi32, #tpu.memory_space<hbm>>
      tpu.wait_dma2 semaphore(%run_scoped3A_34 : memref<!tpu.dma_semaphore, #tpu.memory_space<semaphore_mem>>) src(%dma_wait3A_56 : memref<8x128xi32, #tpu.memory_space<hbm>>) dst(%dma_wait3A_54 : memref<8x128xi32, #tpu.memory_space<vmem>>)
      tpu.yield
    }) : () -> ()
    %run_scoped3A_19 = arith.constant 17 : i32
    "tpu.region"() ({
      %run_scoped3A_34 = tpu.sem_alloc : memref<!tpu.dma_semaphore, #tpu.memory_space<semaphore_mem>>
      %dma_start3A = arith.constant 0 : i32
      %dma_start3A_35 = arith.constant 0 : i32
      %dma_start3A_36 = tpu.memref_slice %arg4[%run_scoped3A_19, %dma_start3A, %dma_start3A_35] : memref<25x8x128xi32, #tpu.memory_space<vmem>> -> memref<1x8x128xi32, #tpu.memory_space<vmem>>
      %dma_start3A_37 = tpu.memref_squeeze %dma_start3A_36 : memref<1x8x128xi32, #tpu.memory_space<vmem>> -> memref<8x128xi32, #tpu.memory_space<vmem>>
      %dma_start3A_38 = arith.constant 136 : i32
      %dma_start3A_39 = tpu.memref_slice %arg2[%dma_start3A_38, %mul3A_2] : memref<200x4096xi32, #tpu.memory_space<hbm>> -> memref<8x128xi32, #tpu.memory_space<hbm>>
      %dma_start3A_40 = arith.constant 0 : i32
      %dma_start3A_41 = arith.constant 0 : i32
      %dma_start3A_42 = tpu.memref_slice %arg4[%run_scoped3A_19, %dma_start3A_40, %dma_start3A_41] : memref<25x8x128xi32, #tpu.memory_space<vmem>> -> memref<1x8x128xi32, #tpu.memory_space<vmem>>
      %dma_start3A_43 = tpu.memref_squeeze %dma_start3A_42 : memref<1x8x128xi32, #tpu.memory_space<vmem>> -> memref<8x128xi32, #tpu.memory_space<vmem>>
      %dma_start3A_44 = arith.constant 136 : i32
      %dma_start3A_45 = tpu.memref_slice %arg2[%dma_start3A_44, %mul3A_2] : memref<200x4096xi32, #tpu.memory_space<hbm>> -> memref<8x128xi32, #tpu.memory_space<hbm>>
      tpu.enqueue_dma source(%dma_start3A_45 : memref<8x128xi32, #tpu.memory_space<hbm>>) target(%dma_start3A_43 : memref<8x128xi32, #tpu.memory_space<vmem>>) target_semaphore(%run_scoped3A_34 : memref<!tpu.dma_semaphore, #tpu.memory_space<semaphore_mem>>)
      %dma_wait3A = arith.constant 0 : i32
      %dma_wait3A_46 = arith.constant 0 : i32
      %dma_wait3A_47 = tpu.memref_slice %arg4[%run_scoped3A_19, %dma_wait3A, %dma_wait3A_46] : memref<25x8x128xi32, #tpu.memory_space<vmem>> -> memref<1x8x128xi32, #tpu.memory_space<vmem>>
      %dma_wait3A_48 = tpu.memref_squeeze %dma_wait3A_47 : memref<1x8x128xi32, #tpu.memory_space<vmem>> -> memref<8x128xi32, #tpu.memory_space<vmem>>
      %dma_wait3A_49 = arith.constant 136 : i32
      %dma_wait3A_50 = tpu.memref_slice %arg2[%dma_wait3A_49, %mul3A_2] : memref<200x4096xi32, #tpu.memory_space<hbm>> -> memref<8x128xi32, #tpu.memory_space<hbm>>
      %dma_wait3A_51 = arith.constant 0 : i32
      %dma_wait3A_52 = arith.constant 0 : i32
      %dma_wait3A_53 = tpu.memref_slice %arg4[%run_scoped3A_19, %dma_wait3A_51, %dma_wait3A_52] : memref<25x8x128xi32, #tpu.memory_space<vmem>> -> memref<1x8x128xi32, #tpu.memory_space<vmem>>
      %dma_wait3A_54 = tpu.memref_squeeze %dma_wait3A_53 : memref<1x8x128xi32, #tpu.memory_space<vmem>> -> memref<8x128xi32, #tpu.memory_space<vmem>>
      %dma_wait3A_55 = arith.constant 136 : i32
      %dma_wait3A_56 = tpu.memref_slice %arg2[%dma_wait3A_55, %mul3A_2] : memref<200x4096xi32, #tpu.memory_space<hbm>> -> memref<8x128xi32, #tpu.memory_space<hbm>>
      tpu.wait_dma2 semaphore(%run_scoped3A_34 : memref<!tpu.dma_semaphore, #tpu.memory_space<semaphore_mem>>) src(%dma_wait3A_56 : memref<8x128xi32, #tpu.memory_space<hbm>>) dst(%dma_wait3A_54 : memref<8x128xi32, #tpu.memory_space<vmem>>)
      tpu.yield
    }) : () -> ()
    %run_scoped3A_20 = arith.constant 18 : i32
    "tpu.region"() ({
      %run_scoped3A_34 = tpu.sem_alloc : memref<!tpu.dma_semaphore, #tpu.memory_space<semaphore_mem>>
      %dma_start3A = arith.constant 0 : i32
      %dma_start3A_35 = arith.constant 0 : i32
      %dma_start3A_36 = tpu.memref_slice %arg4[%run_scoped3A_20, %dma_start3A, %dma_start3A_35] : memref<25x8x128xi32, #tpu.memory_space<vmem>> -> memref<1x8x128xi32, #tpu.memory_space<vmem>>
      %dma_start3A_37 = tpu.memref_squeeze %dma_start3A_36 : memref<1x8x128xi32, #tpu.memory_space<vmem>> -> memref<8x128xi32, #tpu.memory_space<vmem>>
      %dma_start3A_38 = arith.constant 144 : i32
      %dma_start3A_39 = tpu.memref_slice %arg2[%dma_start3A_38, %mul3A_2] : memref<200x4096xi32, #tpu.memory_space<hbm>> -> memref<8x128xi32, #tpu.memory_space<hbm>>
      %dma_start3A_40 = arith.constant 0 : i32
      %dma_start3A_41 = arith.constant 0 : i32
      %dma_start3A_42 = tpu.memref_slice %arg4[%run_scoped3A_20, %dma_start3A_40, %dma_start3A_41] : memref<25x8x128xi32, #tpu.memory_space<vmem>> -> memref<1x8x128xi32, #tpu.memory_space<vmem>>
      %dma_start3A_43 = tpu.memref_squeeze %dma_start3A_42 : memref<1x8x128xi32, #tpu.memory_space<vmem>> -> memref<8x128xi32, #tpu.memory_space<vmem>>
      %dma_start3A_44 = arith.constant 144 : i32
      %dma_start3A_45 = tpu.memref_slice %arg2[%dma_start3A_44, %mul3A_2] : memref<200x4096xi32, #tpu.memory_space<hbm>> -> memref<8x128xi32, #tpu.memory_space<hbm>>
      tpu.enqueue_dma source(%dma_start3A_45 : memref<8x128xi32, #tpu.memory_space<hbm>>) target(%dma_start3A_43 : memref<8x128xi32, #tpu.memory_space<vmem>>) target_semaphore(%run_scoped3A_34 : memref<!tpu.dma_semaphore, #tpu.memory_space<semaphore_mem>>)
      %dma_wait3A = arith.constant 0 : i32
      %dma_wait3A_46 = arith.constant 0 : i32
      %dma_wait3A_47 = tpu.memref_slice %arg4[%run_scoped3A_20, %dma_wait3A, %dma_wait3A_46] : memref<25x8x128xi32, #tpu.memory_space<vmem>> -> memref<1x8x128xi32, #tpu.memory_space<vmem>>
      %dma_wait3A_48 = tpu.memref_squeeze %dma_wait3A_47 : memref<1x8x128xi32, #tpu.memory_space<vmem>> -> memref<8x128xi32, #tpu.memory_space<vmem>>
      %dma_wait3A_49 = arith.constant 144 : i32
      %dma_wait3A_50 = tpu.memref_slice %arg2[%dma_wait3A_49, %mul3A_2] : memref<200x4096xi32, #tpu.memory_space<hbm>> -> memref<8x128xi32, #tpu.memory_space<hbm>>
      %dma_wait3A_51 = arith.constant 0 : i32
      %dma_wait3A_52 = arith.constant 0 : i32
      %dma_wait3A_53 = tpu.memref_slice %arg4[%run_scoped3A_20, %dma_wait3A_51, %dma_wait3A_52] : memref<25x8x128xi32, #tpu.memory_space<vmem>> -> memref<1x8x128xi32, #tpu.memory_space<vmem>>
      %dma_wait3A_54 = tpu.memref_squeeze %dma_wait3A_53 : memref<1x8x128xi32, #tpu.memory_space<vmem>> -> memref<8x128xi32, #tpu.memory_space<vmem>>
      %dma_wait3A_55 = arith.constant 144 : i32
      %dma_wait3A_56 = tpu.memref_slice %arg2[%dma_wait3A_55, %mul3A_2] : memref<200x4096xi32, #tpu.memory_space<hbm>> -> memref<8x128xi32, #tpu.memory_space<hbm>>
      tpu.wait_dma2 semaphore(%run_scoped3A_34 : memref<!tpu.dma_semaphore, #tpu.memory_space<semaphore_mem>>) src(%dma_wait3A_56 : memref<8x128xi32, #tpu.memory_space<hbm>>) dst(%dma_wait3A_54 : memref<8x128xi32, #tpu.memory_space<vmem>>)
      tpu.yield
    }) : () -> ()
    %run_scoped3A_21 = arith.constant 19 : i32
    "tpu.region"() ({
      %run_scoped3A_34 = tpu.sem_alloc : memref<!tpu.dma_semaphore, #tpu.memory_space<semaphore_mem>>
      %dma_start3A = arith.constant 0 : i32
      %dma_start3A_35 = arith.constant 0 : i32
      %dma_start3A_36 = tpu.memref_slice %arg4[%run_scoped3A_21, %dma_start3A, %dma_start3A_35] : memref<25x8x128xi32, #tpu.memory_space<vmem>> -> memref<1x8x128xi32, #tpu.memory_space<vmem>>
      %dma_start3A_37 = tpu.memref_squeeze %dma_start3A_36 : memref<1x8x128xi32, #tpu.memory_space<vmem>> -> memref<8x128xi32, #tpu.memory_space<vmem>>
      %dma_start3A_38 = arith.constant 152 : i32
      %dma_start3A_39 = tpu.memref_slice %arg2[%dma_start3A_38, %mul3A_2] : memref<200x4096xi32, #tpu.memory_space<hbm>> -> memref<8x128xi32, #tpu.memory_space<hbm>>
      %dma_start3A_40 = arith.constant 0 : i32
      %dma_start3A_41 = arith.constant 0 : i32
      %dma_start3A_42 = tpu.memref_slice %arg4[%run_scoped3A_21, %dma_start3A_40, %dma_start3A_41] : memref<25x8x128xi32, #tpu.memory_space<vmem>> -> memref<1x8x128xi32, #tpu.memory_space<vmem>>
      %dma_start3A_43 = tpu.memref_squeeze %dma_start3A_42 : memref<1x8x128xi32, #tpu.memory_space<vmem>> -> memref<8x128xi32, #tpu.memory_space<vmem>>
      %dma_start3A_44 = arith.constant 152 : i32
      %dma_start3A_45 = tpu.memref_slice %arg2[%dma_start3A_44, %mul3A_2] : memref<200x4096xi32, #tpu.memory_space<hbm>> -> memref<8x128xi32, #tpu.memory_space<hbm>>
      tpu.enqueue_dma source(%dma_start3A_45 : memref<8x128xi32, #tpu.memory_space<hbm>>) target(%dma_start3A_43 : memref<8x128xi32, #tpu.memory_space<vmem>>) target_semaphore(%run_scoped3A_34 : memref<!tpu.dma_semaphore, #tpu.memory_space<semaphore_mem>>)
      %dma_wait3A = arith.constant 0 : i32
      %dma_wait3A_46 = arith.constant 0 : i32
      %dma_wait3A_47 = tpu.memref_slice %arg4[%run_scoped3A_21, %dma_wait3A, %dma_wait3A_46] : memref<25x8x128xi32, #tpu.memory_space<vmem>> -> memref<1x8x128xi32, #tpu.memory_space<vmem>>
      %dma_wait3A_48 = tpu.memref_squeeze %dma_wait3A_47 : memref<1x8x128xi32, #tpu.memory_space<vmem>> -> memref<8x128xi32, #tpu.memory_space<vmem>>
      %dma_wait3A_49 = arith.constant 152 : i32
      %dma_wait3A_50 = tpu.memref_slice %arg2[%dma_wait3A_49, %mul3A_2] : memref<200x4096xi32, #tpu.memory_space<hbm>> -> memref<8x128xi32, #tpu.memory_space<hbm>>
      %dma_wait3A_51 = arith.constant 0 : i32
      %dma_wait3A_52 = arith.constant 0 : i32
      %dma_wait3A_53 = tpu.memref_slice %arg4[%run_scoped3A_21, %dma_wait3A_51, %dma_wait3A_52] : memref<25x8x128xi32, #tpu.memory_space<vmem>> -> memref<1x8x128xi32, #tpu.memory_space<vmem>>
      %dma_wait3A_54 = tpu.memref_squeeze %dma_wait3A_53 : memref<1x8x128xi32, #tpu.memory_space<vmem>> -> memref<8x128xi32, #tpu.memory_space<vmem>>
      %dma_wait3A_55 = arith.constant 152 : i32
      %dma_wait3A_56 = tpu.memref_slice %arg2[%dma_wait3A_55, %mul3A_2] : memref<200x4096xi32, #tpu.memory_space<hbm>> -> memref<8x128xi32, #tpu.memory_space<hbm>>
      tpu.wait_dma2 semaphore(%run_scoped3A_34 : memref<!tpu.dma_semaphore, #tpu.memory_space<semaphore_mem>>) src(%dma_wait3A_56 : memref<8x128xi32, #tpu.memory_space<hbm>>) dst(%dma_wait3A_54 : memref<8x128xi32, #tpu.memory_space<vmem>>)
      tpu.yield
    }) : () -> ()
    %run_scoped3A_22 = arith.constant 20 : i32
    "tpu.region"() ({
      %run_scoped3A_34 = tpu.sem_alloc : memref<!tpu.dma_semaphore, #tpu.memory_space<semaphore_mem>>
      %dma_start3A = arith.constant 0 : i32
      %dma_start3A_35 = arith.constant 0 : i32
      %dma_start3A_36 = tpu.memref_slice %arg4[%run_scoped3A_22, %dma_start3A, %dma_start3A_35] : memref<25x8x128xi32, #tpu.memory_space<vmem>> -> memref<1x8x128xi32, #tpu.memory_space<vmem>>
      %dma_start3A_37 = tpu.memref_squeeze %dma_start3A_36 : memref<1x8x128xi32, #tpu.memory_space<vmem>> -> memref<8x128xi32, #tpu.memory_space<vmem>>
      %dma_start3A_38 = arith.constant 160 : i32
      %dma_start3A_39 = tpu.memref_slice %arg2[%dma_start3A_38, %mul3A_2] : memref<200x4096xi32, #tpu.memory_space<hbm>> -> memref<8x128xi32, #tpu.memory_space<hbm>>
      %dma_start3A_40 = arith.constant 0 : i32
      %dma_start3A_41 = arith.constant 0 : i32
      %dma_start3A_42 = tpu.memref_slice %arg4[%run_scoped3A_22, %dma_start3A_40, %dma_start3A_41] : memref<25x8x128xi32, #tpu.memory_space<vmem>> -> memref<1x8x128xi32, #tpu.memory_space<vmem>>
      %dma_start3A_43 = tpu.memref_squeeze %dma_start3A_42 : memref<1x8x128xi32, #tpu.memory_space<vmem>> -> memref<8x128xi32, #tpu.memory_space<vmem>>
      %dma_start3A_44 = arith.constant 160 : i32
      %dma_start3A_45 = tpu.memref_slice %arg2[%dma_start3A_44, %mul3A_2] : memref<200x4096xi32, #tpu.memory_space<hbm>> -> memref<8x128xi32, #tpu.memory_space<hbm>>
      tpu.enqueue_dma source(%dma_start3A_45 : memref<8x128xi32, #tpu.memory_space<hbm>>) target(%dma_start3A_43 : memref<8x128xi32, #tpu.memory_space<vmem>>) target_semaphore(%run_scoped3A_34 : memref<!tpu.dma_semaphore, #tpu.memory_space<semaphore_mem>>)
      %dma_wait3A = arith.constant 0 : i32
      %dma_wait3A_46 = arith.constant 0 : i32
      %dma_wait3A_47 = tpu.memref_slice %arg4[%run_scoped3A_22, %dma_wait3A, %dma_wait3A_46] : memref<25x8x128xi32, #tpu.memory_space<vmem>> -> memref<1x8x128xi32, #tpu.memory_space<vmem>>
      %dma_wait3A_48 = tpu.memref_squeeze %dma_wait3A_47 : memref<1x8x128xi32, #tpu.memory_space<vmem>> -> memref<8x128xi32, #tpu.memory_space<vmem>>
      %dma_wait3A_49 = arith.constant 160 : i32
      %dma_wait3A_50 = tpu.memref_slice %arg2[%dma_wait3A_49, %mul3A_2] : memref<200x4096xi32, #tpu.memory_space<hbm>> -> memref<8x128xi32, #tpu.memory_space<hbm>>
      %dma_wait3A_51 = arith.constant 0 : i32
      %dma_wait3A_52 = arith.constant 0 : i32
      %dma_wait3A_53 = tpu.memref_slice %arg4[%run_scoped3A_22, %dma_wait3A_51, %dma_wait3A_52] : memref<25x8x128xi32, #tpu.memory_space<vmem>> -> memref<1x8x128xi32, #tpu.memory_space<vmem>>
      %dma_wait3A_54 = tpu.memref_squeeze %dma_wait3A_53 : memref<1x8x128xi32, #tpu.memory_space<vmem>> -> memref<8x128xi32, #tpu.memory_space<vmem>>
      %dma_wait3A_55 = arith.constant 160 : i32
      %dma_wait3A_56 = tpu.memref_slice %arg2[%dma_wait3A_55, %mul3A_2] : memref<200x4096xi32, #tpu.memory_space<hbm>> -> memref<8x128xi32, #tpu.memory_space<hbm>>
      tpu.wait_dma2 semaphore(%run_scoped3A_34 : memref<!tpu.dma_semaphore, #tpu.memory_space<semaphore_mem>>) src(%dma_wait3A_56 : memref<8x128xi32, #tpu.memory_space<hbm>>) dst(%dma_wait3A_54 : memref<8x128xi32, #tpu.memory_space<vmem>>)
      tpu.yield
    }) : () -> ()
    %run_scoped3A_23 = arith.constant 21 : i32
    "tpu.region"() ({
      %run_scoped3A_34 = tpu.sem_alloc : memref<!tpu.dma_semaphore, #tpu.memory_space<semaphore_mem>>
      %dma_start3A = arith.constant 0 : i32
      %dma_start3A_35 = arith.constant 0 : i32
      %dma_start3A_36 = tpu.memref_slice %arg4[%run_scoped3A_23, %dma_start3A, %dma_start3A_35] : memref<25x8x128xi32, #tpu.memory_space<vmem>> -> memref<1x8x128xi32, #tpu.memory_space<vmem>>
      %dma_start3A_37 = tpu.memref_squeeze %dma_start3A_36 : memref<1x8x128xi32, #tpu.memory_space<vmem>> -> memref<8x128xi32, #tpu.memory_space<vmem>>
      %dma_start3A_38 = arith.constant 168 : i32
      %dma_start3A_39 = tpu.memref_slice %arg2[%dma_start3A_38, %mul3A_2] : memref<200x4096xi32, #tpu.memory_space<hbm>> -> memref<8x128xi32, #tpu.memory_space<hbm>>
      %dma_start3A_40 = arith.constant 0 : i32
      %dma_start3A_41 = arith.constant 0 : i32
      %dma_start3A_42 = tpu.memref_slice %arg4[%run_scoped3A_23, %dma_start3A_40, %dma_start3A_41] : memref<25x8x128xi32, #tpu.memory_space<vmem>> -> memref<1x8x128xi32, #tpu.memory_space<vmem>>
      %dma_start3A_43 = tpu.memref_squeeze %dma_start3A_42 : memref<1x8x128xi32, #tpu.memory_space<vmem>> -> memref<8x128xi32, #tpu.memory_space<vmem>>
      %dma_start3A_44 = arith.constant 168 : i32
      %dma_start3A_45 = tpu.memref_slice %arg2[%dma_start3A_44, %mul3A_2] : memref<200x4096xi32, #tpu.memory_space<hbm>> -> memref<8x128xi32, #tpu.memory_space<hbm>>
      tpu.enqueue_dma source(%dma_start3A_45 : memref<8x128xi32, #tpu.memory_space<hbm>>) target(%dma_start3A_43 : memref<8x128xi32, #tpu.memory_space<vmem>>) target_semaphore(%run_scoped3A_34 : memref<!tpu.dma_semaphore, #tpu.memory_space<semaphore_mem>>)
      %dma_wait3A = arith.constant 0 : i32
      %dma_wait3A_46 = arith.constant 0 : i32
      %dma_wait3A_47 = tpu.memref_slice %arg4[%run_scoped3A_23, %dma_wait3A, %dma_wait3A_46] : memref<25x8x128xi32, #tpu.memory_space<vmem>> -> memref<1x8x128xi32, #tpu.memory_space<vmem>>
      %dma_wait3A_48 = tpu.memref_squeeze %dma_wait3A_47 : memref<1x8x128xi32, #tpu.memory_space<vmem>> -> memref<8x128xi32, #tpu.memory_space<vmem>>
      %dma_wait3A_49 = arith.constant 168 : i32
      %dma_wait3A_50 = tpu.memref_slice %arg2[%dma_wait3A_49, %mul3A_2] : memref<200x4096xi32, #tpu.memory_space<hbm>> -> memref<8x128xi32, #tpu.memory_space<hbm>>
      %dma_wait3A_51 = arith.constant 0 : i32
      %dma_wait3A_52 = arith.constant 0 : i32
      %dma_wait3A_53 = tpu.memref_slice %arg4[%run_scoped3A_23, %dma_wait3A_51, %dma_wait3A_52] : memref<25x8x128xi32, #tpu.memory_space<vmem>> -> memref<1x8x128xi32, #tpu.memory_space<vmem>>
      %dma_wait3A_54 = tpu.memref_squeeze %dma_wait3A_53 : memref<1x8x128xi32, #tpu.memory_space<vmem>> -> memref<8x128xi32, #tpu.memory_space<vmem>>
      %dma_wait3A_55 = arith.constant 168 : i32
      %dma_wait3A_56 = tpu.memref_slice %arg2[%dma_wait3A_55, %mul3A_2] : memref<200x4096xi32, #tpu.memory_space<hbm>> -> memref<8x128xi32, #tpu.memory_space<hbm>>
      tpu.wait_dma2 semaphore(%run_scoped3A_34 : memref<!tpu.dma_semaphore, #tpu.memory_space<semaphore_mem>>) src(%dma_wait3A_56 : memref<8x128xi32, #tpu.memory_space<hbm>>) dst(%dma_wait3A_54 : memref<8x128xi32, #tpu.memory_space<vmem>>)
      tpu.yield
    }) : () -> ()
    %run_scoped3A_24 = arith.constant 22 : i32
    "tpu.region"() ({
      %run_scoped3A_34 = tpu.sem_alloc : memref<!tpu.dma_semaphore, #tpu.memory_space<semaphore_mem>>
      %dma_start3A = arith.constant 0 : i32
      %dma_start3A_35 = arith.constant 0 : i32
      %dma_start3A_36 = tpu.memref_slice %arg4[%run_scoped3A_24, %dma_start3A, %dma_start3A_35] : memref<25x8x128xi32, #tpu.memory_space<vmem>> -> memref<1x8x128xi32, #tpu.memory_space<vmem>>
      %dma_start3A_37 = tpu.memref_squeeze %dma_start3A_36 : memref<1x8x128xi32, #tpu.memory_space<vmem>> -> memref<8x128xi32, #tpu.memory_space<vmem>>
      %dma_start3A_38 = arith.constant 176 : i32
      %dma_start3A_39 = tpu.memref_slice %arg2[%dma_start3A_38, %mul3A_2] : memref<200x4096xi32, #tpu.memory_space<hbm>> -> memref<8x128xi32, #tpu.memory_space<hbm>>
      %dma_start3A_40 = arith.constant 0 : i32
      %dma_start3A_41 = arith.constant 0 : i32
      %dma_start3A_42 = tpu.memref_slice %arg4[%run_scoped3A_24, %dma_start3A_40, %dma_start3A_41] : memref<25x8x128xi32, #tpu.memory_space<vmem>> -> memref<1x8x128xi32, #tpu.memory_space<vmem>>
      %dma_start3A_43 = tpu.memref_squeeze %dma_start3A_42 : memref<1x8x128xi32, #tpu.memory_space<vmem>> -> memref<8x128xi32, #tpu.memory_space<vmem>>
      %dma_start3A_44 = arith.constant 176 : i32
      %dma_start3A_45 = tpu.memref_slice %arg2[%dma_start3A_44, %mul3A_2] : memref<200x4096xi32, #tpu.memory_space<hbm>> -> memref<8x128xi32, #tpu.memory_space<hbm>>
      tpu.enqueue_dma source(%dma_start3A_45 : memref<8x128xi32, #tpu.memory_space<hbm>>) target(%dma_start3A_43 : memref<8x128xi32, #tpu.memory_space<vmem>>) target_semaphore(%run_scoped3A_34 : memref<!tpu.dma_semaphore, #tpu.memory_space<semaphore_mem>>)
      %dma_wait3A = arith.constant 0 : i32
      %dma_wait3A_46 = arith.constant 0 : i32
      %dma_wait3A_47 = tpu.memref_slice %arg4[%run_scoped3A_24, %dma_wait3A, %dma_wait3A_46] : memref<25x8x128xi32, #tpu.memory_space<vmem>> -> memref<1x8x128xi32, #tpu.memory_space<vmem>>
      %dma_wait3A_48 = tpu.memref_squeeze %dma_wait3A_47 : memref<1x8x128xi32, #tpu.memory_space<vmem>> -> memref<8x128xi32, #tpu.memory_space<vmem>>
      %dma_wait3A_49 = arith.constant 176 : i32
      %dma_wait3A_50 = tpu.memref_slice %arg2[%dma_wait3A_49, %mul3A_2] : memref<200x4096xi32, #tpu.memory_space<hbm>> -> memref<8x128xi32, #tpu.memory_space<hbm>>
      %dma_wait3A_51 = arith.constant 0 : i32
      %dma_wait3A_52 = arith.constant 0 : i32
      %dma_wait3A_53 = tpu.memref_slice %arg4[%run_scoped3A_24, %dma_wait3A_51, %dma_wait3A_52] : memref<25x8x128xi32, #tpu.memory_space<vmem>> -> memref<1x8x128xi32, #tpu.memory_space<vmem>>
      %dma_wait3A_54 = tpu.memref_squeeze %dma_wait3A_53 : memref<1x8x128xi32, #tpu.memory_space<vmem>> -> memref<8x128xi32, #tpu.memory_space<vmem>>
      %dma_wait3A_55 = arith.constant 176 : i32
      %dma_wait3A_56 = tpu.memref_slice %arg2[%dma_wait3A_55, %mul3A_2] : memref<200x4096xi32, #tpu.memory_space<hbm>> -> memref<8x128xi32, #tpu.memory_space<hbm>>
      tpu.wait_dma2 semaphore(%run_scoped3A_34 : memref<!tpu.dma_semaphore, #tpu.memory_space<semaphore_mem>>) src(%dma_wait3A_56 : memref<8x128xi32, #tpu.memory_space<hbm>>) dst(%dma_wait3A_54 : memref<8x128xi32, #tpu.memory_space<vmem>>)
      tpu.yield
    }) : () -> ()
    %run_scoped3A_25 = arith.constant 23 : i32
    "tpu.region"() ({
      %run_scoped3A_34 = tpu.sem_alloc : memref<!tpu.dma_semaphore, #tpu.memory_space<semaphore_mem>>
      %dma_start3A = arith.constant 0 : i32
      %dma_start3A_35 = arith.constant 0 : i32
      %dma_start3A_36 = tpu.memref_slice %arg4[%run_scoped3A_25, %dma_start3A, %dma_start3A_35] : memref<25x8x128xi32, #tpu.memory_space<vmem>> -> memref<1x8x128xi32, #tpu.memory_space<vmem>>
      %dma_start3A_37 = tpu.memref_squeeze %dma_start3A_36 : memref<1x8x128xi32, #tpu.memory_space<vmem>> -> memref<8x128xi32, #tpu.memory_space<vmem>>
      %dma_start3A_38 = arith.constant 184 : i32
      %dma_start3A_39 = tpu.memref_slice %arg2[%dma_start3A_38, %mul3A_2] : memref<200x4096xi32, #tpu.memory_space<hbm>> -> memref<8x128xi32, #tpu.memory_space<hbm>>
      %dma_start3A_40 = arith.constant 0 : i32
      %dma_start3A_41 = arith.constant 0 : i32
      %dma_start3A_42 = tpu.memref_slice %arg4[%run_scoped3A_25, %dma_start3A_40, %dma_start3A_41] : memref<25x8x128xi32, #tpu.memory_space<vmem>> -> memref<1x8x128xi32, #tpu.memory_space<vmem>>
      %dma_start3A_43 = tpu.memref_squeeze %dma_start3A_42 : memref<1x8x128xi32, #tpu.memory_space<vmem>> -> memref<8x128xi32, #tpu.memory_space<vmem>>
      %dma_start3A_44 = arith.constant 184 : i32
      %dma_start3A_45 = tpu.memref_slice %arg2[%dma_start3A_44, %mul3A_2] : memref<200x4096xi32, #tpu.memory_space<hbm>> -> memref<8x128xi32, #tpu.memory_space<hbm>>
      tpu.enqueue_dma source(%dma_start3A_45 : memref<8x128xi32, #tpu.memory_space<hbm>>) target(%dma_start3A_43 : memref<8x128xi32, #tpu.memory_space<vmem>>) target_semaphore(%run_scoped3A_34 : memref<!tpu.dma_semaphore, #tpu.memory_space<semaphore_mem>>)
      %dma_wait3A = arith.constant 0 : i32
      %dma_wait3A_46 = arith.constant 0 : i32
      %dma_wait3A_47 = tpu.memref_slice %arg4[%run_scoped3A_25, %dma_wait3A, %dma_wait3A_46] : memref<25x8x128xi32, #tpu.memory_space<vmem>> -> memref<1x8x128xi32, #tpu.memory_space<vmem>>
      %dma_wait3A_48 = tpu.memref_squeeze %dma_wait3A_47 : memref<1x8x128xi32, #tpu.memory_space<vmem>> -> memref<8x128xi32, #tpu.memory_space<vmem>>
      %dma_wait3A_49 = arith.constant 184 : i32
      %dma_wait3A_50 = tpu.memref_slice %arg2[%dma_wait3A_49, %mul3A_2] : memref<200x4096xi32, #tpu.memory_space<hbm>> -> memref<8x128xi32, #tpu.memory_space<hbm>>
      %dma_wait3A_51 = arith.constant 0 : i32
      %dma_wait3A_52 = arith.constant 0 : i32
      %dma_wait3A_53 = tpu.memref_slice %arg4[%run_scoped3A_25, %dma_wait3A_51, %dma_wait3A_52] : memref<25x8x128xi32, #tpu.memory_space<vmem>> -> memref<1x8x128xi32, #tpu.memory_space<vmem>>
      %dma_wait3A_54 = tpu.memref_squeeze %dma_wait3A_53 : memref<1x8x128xi32, #tpu.memory_space<vmem>> -> memref<8x128xi32, #tpu.memory_space<vmem>>
      %dma_wait3A_55 = arith.constant 184 : i32
      %dma_wait3A_56 = tpu.memref_slice %arg2[%dma_wait3A_55, %mul3A_2] : memref<200x4096xi32, #tpu.memory_space<hbm>> -> memref<8x128xi32, #tpu.memory_space<hbm>>
      tpu.wait_dma2 semaphore(%run_scoped3A_34 : memref<!tpu.dma_semaphore, #tpu.memory_space<semaphore_mem>>) src(%dma_wait3A_56 : memref<8x128xi32, #tpu.memory_space<hbm>>) dst(%dma_wait3A_54 : memref<8x128xi32, #tpu.memory_space<vmem>>)
      tpu.yield
    }) : () -> ()
    %run_scoped3A_26 = arith.constant 24 : i32
    "tpu.region"() ({
      %run_scoped3A_34 = tpu.sem_alloc : memref<!tpu.dma_semaphore, #tpu.memory_space<semaphore_mem>>
      %dma_start3A = arith.constant 0 : i32
      %dma_start3A_35 = arith.constant 0 : i32
      %dma_start3A_36 = tpu.memref_slice %arg4[%run_scoped3A_26, %dma_start3A, %dma_start3A_35] : memref<25x8x128xi32, #tpu.memory_space<vmem>> -> memref<1x8x128xi32, #tpu.memory_space<vmem>>
      %dma_start3A_37 = tpu.memref_squeeze %dma_start3A_36 : memref<1x8x128xi32, #tpu.memory_space<vmem>> -> memref<8x128xi32, #tpu.memory_space<vmem>>
      %dma_start3A_38 = arith.constant 192 : i32
      %dma_start3A_39 = tpu.memref_slice %arg2[%dma_start3A_38, %mul3A_2] : memref<200x4096xi32, #tpu.memory_space<hbm>> -> memref<8x128xi32, #tpu.memory_space<hbm>>
      %dma_start3A_40 = arith.constant 0 : i32
      %dma_start3A_41 = arith.constant 0 : i32
      %dma_start3A_42 = tpu.memref_slice %arg4[%run_scoped3A_26, %dma_start3A_40, %dma_start3A_41] : memref<25x8x128xi32, #tpu.memory_space<vmem>> -> memref<1x8x128xi32, #tpu.memory_space<vmem>>
      %dma_start3A_43 = tpu.memref_squeeze %dma_start3A_42 : memref<1x8x128xi32, #tpu.memory_space<vmem>> -> memref<8x128xi32, #tpu.memory_space<vmem>>
      %dma_start3A_44 = arith.constant 192 : i32
      %dma_start3A_45 = tpu.memref_slice %arg2[%dma_start3A_44, %mul3A_2] : memref<200x4096xi32, #tpu.memory_space<hbm>> -> memref<8x128xi32, #tpu.memory_space<hbm>>
      tpu.enqueue_dma source(%dma_start3A_45 : memref<8x128xi32, #tpu.memory_space<hbm>>) target(%dma_start3A_43 : memref<8x128xi32, #tpu.memory_space<vmem>>) target_semaphore(%run_scoped3A_34 : memref<!tpu.dma_semaphore, #tpu.memory_space<semaphore_mem>>)
      %dma_wait3A = arith.constant 0 : i32
      %dma_wait3A_46 = arith.constant 0 : i32
      %dma_wait3A_47 = tpu.memref_slice %arg4[%run_scoped3A_26, %dma_wait3A, %dma_wait3A_46] : memref<25x8x128xi32, #tpu.memory_space<vmem>> -> memref<1x8x128xi32, #tpu.memory_space<vmem>>
      %dma_wait3A_48 = tpu.memref_squeeze %dma_wait3A_47 : memref<1x8x128xi32, #tpu.memory_space<vmem>> -> memref<8x128xi32, #tpu.memory_space<vmem>>
      %dma_wait3A_49 = arith.constant 192 : i32
      %dma_wait3A_50 = tpu.memref_slice %arg2[%dma_wait3A_49, %mul3A_2] : memref<200x4096xi32, #tpu.memory_space<hbm>> -> memref<8x128xi32, #tpu.memory_space<hbm>>
      %dma_wait3A_51 = arith.constant 0 : i32
      %dma_wait3A_52 = arith.constant 0 : i32
      %dma_wait3A_53 = tpu.memref_slice %arg4[%run_scoped3A_26, %dma_wait3A_51, %dma_wait3A_52] : memref<25x8x128xi32, #tpu.memory_space<vmem>> -> memref<1x8x128xi32, #tpu.memory_space<vmem>>
      %dma_wait3A_54 = tpu.memref_squeeze %dma_wait3A_53 : memref<1x8x128xi32, #tpu.memory_space<vmem>> -> memref<8x128xi32, #tpu.memory_space<vmem>>
      %dma_wait3A_55 = arith.constant 192 : i32
      %dma_wait3A_56 = tpu.memref_slice %arg2[%dma_wait3A_55, %mul3A_2] : memref<200x4096xi32, #tpu.memory_space<hbm>> -> memref<8x128xi32, #tpu.memory_space<hbm>>
      tpu.wait_dma2 semaphore(%run_scoped3A_34 : memref<!tpu.dma_semaphore, #tpu.memory_space<semaphore_mem>>) src(%dma_wait3A_56 : memref<8x128xi32, #tpu.memory_space<hbm>>) dst(%dma_wait3A_54 : memref<8x128xi32, #tpu.memory_space<vmem>>)
      tpu.yield
    }) : () -> ()
    %iota3A = tpu.iota {dimensions = array<i32: 0>} : vector<16xi32>
    %scan3A = arith.constant 0 : i32
    %scan3A_27 = arith.constant 0 : i32
    %scan3A_28 = arith.constant 25 : i32
    %scan3A_29 = arith.addi %scan3A_27, %scan3A_28 : i32
    %scan3A_30 = arith.constant 1 : i32
    scf.for %scan3A_34 = %scan3A_27 to %scan3A_29 step %scan3A_30  : i32 {
      %mul3A_35 = arith.constant 8 : i32
      %mul3A_36 = arith.muli %scan3A_34, %mul3A_35 : i32
      %add3A_37 = arith.constant 0 : i32
      %add3A_38 = vector.broadcast %add3A_37 : i32 to vector<16xi32>
      %add3A_39 = arith.addi %iota3A, %add3A_38 : vector<16xi32>
      %mul3A_40 = arith.constant 200 : i32
      %mul3A_41 = vector.broadcast %mul3A_40 : i32 to vector<16xi32>
      %mul3A_42 = arith.muli %add3A_39, %mul3A_41 : vector<16xi32>
      %add3A_43 = arith.constant 0 : i32
      %add3A_44 = arith.addi %mul3A_36, %add3A_43 : i32
      %add3A_45 = vector.broadcast %add3A_44 : i32 to vector<16xi32>
      %add3A_46 = arith.addi %mul3A_42, %add3A_45 : vector<16xi32>
      %get3A = arith.constant 0 : i32
      %get3A_47 = arith.index_cast %scan3A_34 : i32 to index
      %get3A_48 = arith.index_cast %get3A : i32 to index
      %get3A_49 = arith.constant 0 : index
      %get3A_50 = tpu.vector_load %arg4[%get3A_47, %get3A_48, %get3A_49] {strides = array<i32>} : memref<25x8x128xi32, #tpu.memory_space<vmem>>, vector<16xi32>,
      tpu.vector_store_idx %arg5[%add3A_46], %get3A_50 : memref<25600xi32, #tpu.memory_space<vmem>>[vector<16xi32>], vector<16xi32>,
      %add3A_51 = arith.constant 16 : i32
      %add3A_52 = vector.broadcast %add3A_51 : i32 to vector<16xi32>
      %add3A_53 = arith.addi %iota3A, %add3A_52 : vector<16xi32>
      %mul3A_54 = arith.constant 200 : i32
      %mul3A_55 = vector.broadcast %mul3A_54 : i32 to vector<16xi32>
      %mul3A_56 = arith.muli %add3A_53, %mul3A_55 : vector<16xi32>
      %add3A_57 = arith.constant 0 : i32
      %add3A_58 = arith.addi %mul3A_36, %add3A_57 : i32
      %add3A_59 = vector.broadcast %add3A_58 : i32 to vector<16xi32>
      %add3A_60 = arith.addi %mul3A_56, %add3A_59 : vector<16xi32>
      %get3A_61 = arith.constant 0 : i32
      %get3A_62 = arith.index_cast %scan3A_34 : i32 to index
      %get3A_63 = arith.index_cast %get3A_61 : i32 to index
      %get3A_64 = arith.constant 16 : index
      %get3A_65 = tpu.vector_load %arg4[%get3A_62, %get3A_63, %get3A_64] {strides = array<i32>} : memref<25x8x128xi32, #tpu.memory_space<vmem>>, vector<16xi32>,
      tpu.vector_store_idx %arg5[%add3A_60], %get3A_65 : memref<25600xi32, #tpu.memory_space<vmem>>[vector<16xi32>], vector<16xi32>,
      %add3A_66 = arith.constant 32 : i32
      %add3A_67 = vector.broadcast %add3A_66 : i32 to vector<16xi32>
      %add3A_68 = arith.addi %iota3A, %add3A_67 : vector<16xi32>
      %mul3A_69 = arith.constant 200 : i32
      %mul3A_70 = vector.broadcast %mul3A_69 : i32 to vector<16xi32>
      %mul3A_71 = arith.muli %add3A_68, %mul3A_70 : vector<16xi32>
      %add3A_72 = arith.constant 0 : i32
      %add3A_73 = arith.addi %mul3A_36, %add3A_72 : i32
      %add3A_74 = vector.broadcast %add3A_73 : i32 to vector<16xi32>
      %add3A_75 = arith.addi %mul3A_71, %add3A_74 : vector<16xi32>
      %get3A_76 = arith.constant 0 : i32
      %get3A_77 = arith.index_cast %scan3A_34 : i32 to index
      %get3A_78 = arith.index_cast %get3A_76 : i32 to index
      %get3A_79 = arith.constant 32 : index
      %get3A_80 = tpu.vector_load %arg4[%get3A_77, %get3A_78, %get3A_79] {strides = array<i32>} : memref<25x8x128xi32, #tpu.memory_space<vmem>>, vector<16xi32>,
      tpu.vector_store_idx %arg5[%add3A_75], %get3A_80 : memref<25600xi32, #tpu.memory_space<vmem>>[vector<16xi32>], vector<16xi32>,
      %add3A_81 = arith.constant 48 : i32
      %add3A_82 = vector.broadcast %add3A_81 : i32 to vector<16xi32>
      %add3A_83 = arith.addi %iota3A, %add3A_82 : vector<16xi32>
      %mul3A_84 = arith.constant 200 : i32
      %mul3A_85 = vector.broadcast %mul3A_84 : i32 to vector<16xi32>
      %mul3A_86 = arith.muli %add3A_83, %mul3A_85 : vector<16xi32>
      %add3A_87 = arith.constant 0 : i32
      %add3A_88 = arith.addi %mul3A_36, %add3A_87 : i32
      %add3A_89 = vector.broadcast %add3A_88 : i32 to vector<16xi32>
      %add3A_90 = arith.addi %mul3A_86, %add3A_89 : vector<16xi32>
      %get3A_91 = arith.constant 0 : i32
      %get3A_92 = arith.index_cast %scan3A_34 : i32 to index
      %get3A_93 = arith.index_cast %get3A_91 : i32 to index
      %get3A_94 = arith.constant 48 : index
      %get3A_95 = tpu.vector_load %arg4[%get3A_92, %get3A_93, %get3A_94] {strides = array<i32>} : memref<25x8x128xi32, #tpu.memory_space<vmem>>, vector<16xi32>,
      tpu.vector_store_idx %arg5[%add3A_90], %get3A_95 : memref<25600xi32, #tpu.memory_space<vmem>>[vector<16xi32>], vector<16xi32>,
      %add3A_96 = arith.constant 64 : i32
      %add3A_97 = vector.broadcast %add3A_96 : i32 to vector<16xi32>
      %add3A_98 = arith.addi %iota3A, %add3A_97 : vector<16xi32>
      %mul3A_99 = arith.constant 200 : i32
      %mul3A_100 = vector.broadcast %mul3A_99 : i32 to vector<16xi32>
      %mul3A_101 = arith.muli %add3A_98, %mul3A_100 : vector<16xi32>
      %add3A_102 = arith.constant 0 : i32
      %add3A_103 = arith.addi %mul3A_36, %add3A_102 : i32
      %add3A_104 = vector.broadcast %add3A_103 : i32 to vector<16xi32>
      %add3A_105 = arith.addi %mul3A_101, %add3A_104 : vector<16xi32>
      %get3A_106 = arith.constant 0 : i32
      %get3A_107 = arith.index_cast %scan3A_34 : i32 to index
      %get3A_108 = arith.index_cast %get3A_106 : i32 to index
      %get3A_109 = arith.constant 64 : index
      %get3A_110 = tpu.vector_load %arg4[%get3A_107, %get3A_108, %get3A_109] {strides = array<i32>} : memref<25x8x128xi32, #tpu.memory_space<vmem>>, vector<16xi32>,
      tpu.vector_store_idx %arg5[%add3A_105], %get3A_110 : memref<25600xi32, #tpu.memory_space<vmem>>[vector<16xi32>], vector<16xi32>,
      %add3A_111 = arith.constant 80 : i32
      %add3A_112 = vector.broadcast %add3A_111 : i32 to vector<16xi32>
      %add3A_113 = arith.addi %iota3A, %add3A_112 : vector<16xi32>
      %mul3A_114 = arith.constant 200 : i32
      %mul3A_115 = vector.broadcast %mul3A_114 : i32 to vector<16xi32>
      %mul3A_116 = arith.muli %add3A_113, %mul3A_115 : vector<16xi32>
      %add3A_117 = arith.constant 0 : i32
      %add3A_118 = arith.addi %mul3A_36, %add3A_117 : i32
      %add3A_119 = vector.broadcast %add3A_118 : i32 to vector<16xi32>
      %add3A_120 = arith.addi %mul3A_116, %add3A_119 : vector<16xi32>
      %get3A_121 = arith.constant 0 : i32
      %get3A_122 = arith.index_cast %scan3A_34 : i32 to index
      %get3A_123 = arith.index_cast %get3A_121 : i32 to index
      %get3A_124 = arith.constant 80 : index
      %get3A_125 = tpu.vector_load %arg4[%get3A_122, %get3A_123, %get3A_124] {strides = array<i32>} : memref<25x8x128xi32, #tpu.memory_space<vmem>>, vector<16xi32>,
      tpu.vector_store_idx %arg5[%add3A_120], %get3A_125 : memref<25600xi32, #tpu.memory_space<vmem>>[vector<16xi32>], vector<16xi32>,
      %add3A_126 = arith.constant 96 : i32
      %add3A_127 = vector.broadcast %add3A_126 : i32 to vector<16xi32>
      %add3A_128 = arith.addi %iota3A, %add3A_127 : vector<16xi32>
      %mul3A_129 = arith.constant 200 : i32
      %mul3A_130 = vector.broadcast %mul3A_129 : i32 to vector<16xi32>
      %mul3A_131 = arith.muli %add3A_128, %mul3A_130 : vector<16xi32>
      %add3A_132 = arith.constant 0 : i32
      %add3A_133 = arith.addi %mul3A_36, %add3A_132 : i32
      %add3A_134 = vector.broadcast %add3A_133 : i32 to vector<16xi32>
      %add3A_135 = arith.addi %mul3A_131, %add3A_134 : vector<16xi32>
      %get3A_136 = arith.constant 0 : i32
      %get3A_137 = arith.index_cast %scan3A_34 : i32 to index
      %get3A_138 = arith.index_cast %get3A_136 : i32 to index
      %get3A_139 = arith.constant 96 : index
      %get3A_140 = tpu.vector_load %arg4[%get3A_137, %get3A_138, %get3A_139] {strides = array<i32>} : memref<25x8x128xi32, #tpu.memory_space<vmem>>, vector<16xi32>,
      tpu.vector_store_idx %arg5[%add3A_135], %get3A_140 : memref<25600xi32, #tpu.memory_space<vmem>>[vector<16xi32>], vector<16xi32>,
      %add3A_141 = arith.constant 112 : i32
      %add3A_142 = vector.broadcast %add3A_141 : i32 to vector<16xi32>
      %add3A_143 = arith.addi %iota3A, %add3A_142 : vector<16xi32>
      %mul3A_144 = arith.constant 200 : i32
      %mul3A_145 = vector.broadcast %mul3A_144 : i32 to vector<16xi32>
      %mul3A_146 = arith.muli %add3A_143, %mul3A_145 : vector<16xi32>
      %add3A_147 = arith.constant 0 : i32
      %add3A_148 = arith.addi %mul3A_36, %add3A_147 : i32
      %add3A_149 = vector.broadcast %add3A_148 : i32 to vector<16xi32>
      %add3A_150 = arith.addi %mul3A_146, %add3A_149 : vector<16xi32>
      %get3A_151 = arith.constant 0 : i32
      %get3A_152 = arith.index_cast %scan3A_34 : i32 to index
      %get3A_153 = arith.index_cast %get3A_151 : i32 to index
      %get3A_154 = arith.constant 112 : index
      %get3A_155 = tpu.vector_load %arg4[%get3A_152, %get3A_153, %get3A_154] {strides = array<i32>} : memref<25x8x128xi32, #tpu.memory_space<vmem>>, vector<16xi32>,
      tpu.vector_store_idx %arg5[%add3A_150], %get3A_155 : memref<25600xi32, #tpu.memory_space<vmem>>[vector<16xi32>], vector<16xi32>,
      %add3A_156 = arith.constant 0 : i32
      %add3A_157 = vector.broadcast %add3A_156 : i32 to vector<16xi32>
      %add3A_158 = arith.addi %iota3A, %add3A_157 : vector<16xi32>
      %mul3A_159 = arith.constant 200 : i32
      %mul3A_160 = vector.broadcast %mul3A_159 : i32 to vector<16xi32>
      %mul3A_161 = arith.muli %add3A_158, %mul3A_160 : vector<16xi32>
      %add3A_162 = arith.constant 1 : i32
      %add3A_163 = arith.addi %mul3A_36, %add3A_162 : i32
      %add3A_164 = vector.broadcast %add3A_163 : i32 to vector<16xi32>
      %add3A_165 = arith.addi %mul3A_161, %add3A_164 : vector<16xi32>
      %get3A_166 = arith.constant 1 : i32
      %get3A_167 = arith.index_cast %scan3A_34 : i32 to index
      %get3A_168 = arith.index_cast %get3A_166 : i32 to index
      %get3A_169 = arith.constant 0 : index
      %get3A_170 = tpu.vector_load %arg4[%get3A_167, %get3A_168, %get3A_169] {strides = array<i32>} : memref<25x8x128xi32, #tpu.memory_space<vmem>>, vector<16xi32>,
      tpu.vector_store_idx %arg5[%add3A_165], %get3A_170 : memref<25600xi32, #tpu.memory_space<vmem>>[vector<16xi32>], vector<16xi32>,
      %add3A_171 = arith.constant 16 : i32
      %add3A_172 = vector.broadcast %add3A_171 : i32 to vector<16xi32>
      %add3A_173 = arith.addi %iota3A, %add3A_172 : vector<16xi32>
      %mul3A_174 = arith.constant 200 : i32
      %mul3A_175 = vector.broadcast %mul3A_174 : i32 to vector<16xi32>
      %mul3A_176 = arith.muli %add3A_173, %mul3A_175 : vector<16xi32>
      %add3A_177 = arith.constant 1 : i32
      %add3A_178 = arith.addi %mul3A_36, %add3A_177 : i32
      %add3A_179 = vector.broadcast %add3A_178 : i32 to vector<16xi32>
      %add3A_180 = arith.addi %mul3A_176, %add3A_179 : vector<16xi32>
      %get3A_181 = arith.constant 1 : i32
      %get3A_182 = arith.index_cast %scan3A_34 : i32 to index
      %get3A_183 = arith.index_cast %get3A_181 : i32 to index
      %get3A_184 = arith.constant 16 : index
      %get3A_185 = tpu.vector_load %arg4[%get3A_182, %get3A_183, %get3A_184] {strides = array<i32>} : memref<25x8x128xi32, #tpu.memory_space<vmem>>, vector<16xi32>,
      tpu.vector_store_idx %arg5[%add3A_180], %get3A_185 : memref<25600xi32, #tpu.memory_space<vmem>>[vector<16xi32>], vector<16xi32>,
      %add3A_186 = arith.constant 32 : i32
      %add3A_187 = vector.broadcast %add3A_186 : i32 to vector<16xi32>
      %add3A_188 = arith.addi %iota3A, %add3A_187 : vector<16xi32>
      %mul3A_189 = arith.constant 200 : i32
      %mul3A_190 = vector.broadcast %mul3A_189 : i32 to vector<16xi32>
      %mul3A_191 = arith.muli %add3A_188, %mul3A_190 : vector<16xi32>
      %add3A_192 = arith.constant 1 : i32
      %add3A_193 = arith.addi %mul3A_36, %add3A_192 : i32
      %add3A_194 = vector.broadcast %add3A_193 : i32 to vector<16xi32>
      %add3A_195 = arith.addi %mul3A_191, %add3A_194 : vector<16xi32>
      %get3A_196 = arith.constant 1 : i32
      %get3A_197 = arith.index_cast %scan3A_34 : i32 to index
      %get3A_198 = arith.index_cast %get3A_196 : i32 to index
      %get3A_199 = arith.constant 32 : index
      %get3A_200 = tpu.vector_load %arg4[%get3A_197, %get3A_198, %get3A_199] {strides = array<i32>} : memref<25x8x128xi32, #tpu.memory_space<vmem>>, vector<16xi32>,
      tpu.vector_store_idx %arg5[%add3A_195], %get3A_200 : memref<25600xi32, #tpu.memory_space<vmem>>[vector<16xi32>], vector<16xi32>,
      %add3A_201 = arith.constant 48 : i32
      %add3A_202 = vector.broadcast %add3A_201 : i32 to vector<16xi32>
      %add3A_203 = arith.addi %iota3A, %add3A_202 : vector<16xi32>
      %mul3A_204 = arith.constant 200 : i32
      %mul3A_205 = vector.broadcast %mul3A_204 : i32 to vector<16xi32>
      %mul3A_206 = arith.muli %add3A_203, %mul3A_205 : vector<16xi32>
      %add3A_207 = arith.constant 1 : i32
      %add3A_208 = arith.addi %mul3A_36, %add3A_207 : i32
      %add3A_209 = vector.broadcast %add3A_208 : i32 to vector<16xi32>
      %add3A_210 = arith.addi %mul3A_206, %add3A_209 : vector<16xi32>
      %get3A_211 = arith.constant 1 : i32
      %get3A_212 = arith.index_cast %scan3A_34 : i32 to index
      %get3A_213 = arith.index_cast %get3A_211 : i32 to index
      %get3A_214 = arith.constant 48 : index
      %get3A_215 = tpu.vector_load %arg4[%get3A_212, %get3A_213, %get3A_214] {strides = array<i32>} : memref<25x8x128xi32, #tpu.memory_space<vmem>>, vector<16xi32>,
      tpu.vector_store_idx %arg5[%add3A_210], %get3A_215 : memref<25600xi32, #tpu.memory_space<vmem>>[vector<16xi32>], vector<16xi32>,
      %add3A_216 = arith.constant 64 : i32
      %add3A_217 = vector.broadcast %add3A_216 : i32 to vector<16xi32>
      %add3A_218 = arith.addi %iota3A, %add3A_217 : vector<16xi32>
      %mul3A_219 = arith.constant 200 : i32
      %mul3A_220 = vector.broadcast %mul3A_219 : i32 to vector<16xi32>
      %mul3A_221 = arith.muli %add3A_218, %mul3A_220 : vector<16xi32>
      %add3A_222 = arith.constant 1 : i32
      %add3A_223 = arith.addi %mul3A_36, %add3A_222 : i32
      %add3A_224 = vector.broadcast %add3A_223 : i32 to vector<16xi32>
      %add3A_225 = arith.addi %mul3A_221, %add3A_224 : vector<16xi32>
      %get3A_226 = arith.constant 1 : i32
      %get3A_227 = arith.index_cast %scan3A_34 : i32 to index
      %get3A_228 = arith.index_cast %get3A_226 : i32 to index
      %get3A_229 = arith.constant 64 : index
      %get3A_230 = tpu.vector_load %arg4[%get3A_227, %get3A_228, %get3A_229] {strides = array<i32>} : memref<25x8x128xi32, #tpu.memory_space<vmem>>, vector<16xi32>,
      tpu.vector_store_idx %arg5[%add3A_225], %get3A_230 : memref<25600xi32, #tpu.memory_space<vmem>>[vector<16xi32>], vector<16xi32>,
      %add3A_231 = arith.constant 80 : i32
      %add3A_232 = vector.broadcast %add3A_231 : i32 to vector<16xi32>
      %add3A_233 = arith.addi %iota3A, %add3A_232 : vector<16xi32>
      %mul3A_234 = arith.constant 200 : i32
      %mul3A_235 = vector.broadcast %mul3A_234 : i32 to vector<16xi32>
      %mul3A_236 = arith.muli %add3A_233, %mul3A_235 : vector<16xi32>
      %add3A_237 = arith.constant 1 : i32
      %add3A_238 = arith.addi %mul3A_36, %add3A_237 : i32
      %add3A_239 = vector.broadcast %add3A_238 : i32 to vector<16xi32>
      %add3A_240 = arith.addi %mul3A_236, %add3A_239 : vector<16xi32>
      %get3A_241 = arith.constant 1 : i32
      %get3A_242 = arith.index_cast %scan3A_34 : i32 to index
      %get3A_243 = arith.index_cast %get3A_241 : i32 to index
      %get3A_244 = arith.constant 80 : index
      %get3A_245 = tpu.vector_load %arg4[%get3A_242, %get3A_243, %get3A_244] {strides = array<i32>} : memref<25x8x128xi32, #tpu.memory_space<vmem>>, vector<16xi32>,
      tpu.vector_store_idx %arg5[%add3A_240], %get3A_245 : memref<25600xi32, #tpu.memory_space<vmem>>[vector<16xi32>], vector<16xi32>,
      %add3A_246 = arith.constant 96 : i32
      %add3A_247 = vector.broadcast %add3A_246 : i32 to vector<16xi32>
      %add3A_248 = arith.addi %iota3A, %add3A_247 : vector<16xi32>
      %mul3A_249 = arith.constant 200 : i32
      %mul3A_250 = vector.broadcast %mul3A_249 : i32 to vector<16xi32>
      %mul3A_251 = arith.muli %add3A_248, %mul3A_250 : vector<16xi32>
      %add3A_252 = arith.constant 1 : i32
      %add3A_253 = arith.addi %mul3A_36, %add3A_252 : i32
      %add3A_254 = vector.broadcast %add3A_253 : i32 to vector<16xi32>
      %add3A_255 = arith.addi %mul3A_251, %add3A_254 : vector<16xi32>
      %get3A_256 = arith.constant 1 : i32
      %get3A_257 = arith.index_cast %scan3A_34 : i32 to index
      %get3A_258 = arith.index_cast %get3A_256 : i32 to index
      %get3A_259 = arith.constant 96 : index
      %get3A_260 = tpu.vector_load %arg4[%get3A_257, %get3A_258, %get3A_259] {strides = array<i32>} : memref<25x8x128xi32, #tpu.memory_space<vmem>>, vector<16xi32>,
      tpu.vector_store_idx %arg5[%add3A_255], %get3A_260 : memref<25600xi32, #tpu.memory_space<vmem>>[vector<16xi32>], vector<16xi32>,
      %add3A_261 = arith.constant 112 : i32
      %add3A_262 = vector.broadcast %add3A_261 : i32 to vector<16xi32>
      %add3A_263 = arith.addi %iota3A, %add3A_262 : vector<16xi32>
      %mul3A_264 = arith.constant 200 : i32
      %mul3A_265 = vector.broadcast %mul3A_264 : i32 to vector<16xi32>
      %mul3A_266 = arith.muli %add3A_263, %mul3A_265 : vector<16xi32>
      %add3A_267 = arith.constant 1 : i32
      %add3A_268 = arith.addi %mul3A_36, %add3A_267 : i32
      %add3A_269 = vector.broadcast %add3A_268 : i32 to vector<16xi32>
      %add3A_270 = arith.addi %mul3A_266, %add3A_269 : vector<16xi32>
      %get3A_271 = arith.constant 1 : i32
      %get3A_272 = arith.index_cast %scan3A_34 : i32 to index
      %get3A_273 = arith.index_cast %get3A_271 : i32 to index
      %get3A_274 = arith.constant 112 : index
      %get3A_275 = tpu.vector_load %arg4[%get3A_272, %get3A_273, %get3A_274] {strides = array<i32>} : memref<25x8x128xi32, #tpu.memory_space<vmem>>, vector<16xi32>,
      tpu.vector_store_idx %arg5[%add3A_270], %get3A_275 : memref<25600xi32, #tpu.memory_space<vmem>>[vector<16xi32>], vector<16xi32>,
      %add3A_276 = arith.constant 0 : i32
      %add3A_277 = vector.broadcast %add3A_276 : i32 to vector<16xi32>
      %add3A_278 = arith.addi %iota3A, %add3A_277 : vector<16xi32>
      %mul3A_279 = arith.constant 200 : i32
      %mul3A_280 = vector.broadcast %mul3A_279 : i32 to vector<16xi32>
      %mul3A_281 = arith.muli %add3A_278, %mul3A_280 : vector<16xi32>
      %add3A_282 = arith.constant 2 : i32
      %add3A_283 = arith.addi %mul3A_36, %add3A_282 : i32
      %add3A_284 = vector.broadcast %add3A_283 : i32 to vector<16xi32>
      %add3A_285 = arith.addi %mul3A_281, %add3A_284 : vector<16xi32>
      %get3A_286 = arith.constant 2 : i32
      %get3A_287 = arith.index_cast %scan3A_34 : i32 to index
      %get3A_288 = arith.index_cast %get3A_286 : i32 to index
      %get3A_289 = arith.constant 0 : index
      %get3A_290 = tpu.vector_load %arg4[%get3A_287, %get3A_288, %get3A_289] {strides = array<i32>} : memref<25x8x128xi32, #tpu.memory_space<vmem>>, vector<16xi32>,
      tpu.vector_store_idx %arg5[%add3A_285], %get3A_290 : memref<25600xi32, #tpu.memory_space<vmem>>[vector<16xi32>], vector<16xi32>,
      %add3A_291 = arith.constant 16 : i32
      %add3A_292 = vector.broadcast %add3A_291 : i32 to vector<16xi32>
      %add3A_293 = arith.addi %iota3A, %add3A_292 : vector<16xi32>
      %mul3A_294 = arith.constant 200 : i32
      %mul3A_295 = vector.broadcast %mul3A_294 : i32 to vector<16xi32>
      %mul3A_296 = arith.muli %add3A_293, %mul3A_295 : vector<16xi32>
      %add3A_297 = arith.constant 2 : i32
      %add3A_298 = arith.addi %mul3A_36, %add3A_297 : i32
      %add3A_299 = vector.broadcast %add3A_298 : i32 to vector<16xi32>
      %add3A_300 = arith.addi %mul3A_296, %add3A_299 : vector<16xi32>
      %get3A_301 = arith.constant 2 : i32
      %get3A_302 = arith.index_cast %scan3A_34 : i32 to index
      %get3A_303 = arith.index_cast %get3A_301 : i32 to index
      %get3A_304 = arith.constant 16 : index
      %get3A_305 = tpu.vector_load %arg4[%get3A_302, %get3A_303, %get3A_304] {strides = array<i32>} : memref<25x8x128xi32, #tpu.memory_space<vmem>>, vector<16xi32>,
      tpu.vector_store_idx %arg5[%add3A_300], %get3A_305 : memref<25600xi32, #tpu.memory_space<vmem>>[vector<16xi32>], vector<16xi32>,
      %add3A_306 = arith.constant 32 : i32
      %add3A_307 = vector.broadcast %add3A_306 : i32 to vector<16xi32>
      %add3A_308 = arith.addi %iota3A, %add3A_307 : vector<16xi32>
      %mul3A_309 = arith.constant 200 : i32
      %mul3A_310 = vector.broadcast %mul3A_309 : i32 to vector<16xi32>
      %mul3A_311 = arith.muli %add3A_308, %mul3A_310 : vector<16xi32>
      %add3A_312 = arith.constant 2 : i32
      %add3A_313 = arith.addi %mul3A_36, %add3A_312 : i32
      %add3A_314 = vector.broadcast %add3A_313 : i32 to vector<16xi32>
      %add3A_315 = arith.addi %mul3A_311, %add3A_314 : vector<16xi32>
      %get3A_316 = arith.constant 2 : i32
      %get3A_317 = arith.index_cast %scan3A_34 : i32 to index
      %get3A_318 = arith.index_cast %get3A_316 : i32 to index
      %get3A_319 = arith.constant 32 : index
      %get3A_320 = tpu.vector_load %arg4[%get3A_317, %get3A_318, %get3A_319] {strides = array<i32>} : memref<25x8x128xi32, #tpu.memory_space<vmem>>, vector<16xi32>,
      tpu.vector_store_idx %arg5[%add3A_315], %get3A_320 : memref<25600xi32, #tpu.memory_space<vmem>>[vector<16xi32>], vector<16xi32>,
      %add3A_321 = arith.constant 48 : i32
      %add3A_322 = vector.broadcast %add3A_321 : i32 to vector<16xi32>
      %add3A_323 = arith.addi %iota3A, %add3A_322 : vector<16xi32>
      %mul3A_324 = arith.constant 200 : i32
      %mul3A_325 = vector.broadcast %mul3A_324 : i32 to vector<16xi32>
      %mul3A_326 = arith.muli %add3A_323, %mul3A_325 : vector<16xi32>
      %add3A_327 = arith.constant 2 : i32
      %add3A_328 = arith.addi %mul3A_36, %add3A_327 : i32
      %add3A_329 = vector.broadcast %add3A_328 : i32 to vector<16xi32>
      %add3A_330 = arith.addi %mul3A_326, %add3A_329 : vector<16xi32>
      %get3A_331 = arith.constant 2 : i32
      %get3A_332 = arith.index_cast %scan3A_34 : i32 to index
      %get3A_333 = arith.index_cast %get3A_331 : i32 to index
      %get3A_334 = arith.constant 48 : index
      %get3A_335 = tpu.vector_load %arg4[%get3A_332, %get3A_333, %get3A_334] {strides = array<i32>} : memref<25x8x128xi32, #tpu.memory_space<vmem>>, vector<16xi32>,
      tpu.vector_store_idx %arg5[%add3A_330], %get3A_335 : memref<25600xi32, #tpu.memory_space<vmem>>[vector<16xi32>], vector<16xi32>,
      %add3A_336 = arith.constant 64 : i32
      %add3A_337 = vector.broadcast %add3A_336 : i32 to vector<16xi32>
      %add3A_338 = arith.addi %iota3A, %add3A_337 : vector<16xi32>
      %mul3A_339 = arith.constant 200 : i32
      %mul3A_340 = vector.broadcast %mul3A_339 : i32 to vector<16xi32>
      %mul3A_341 = arith.muli %add3A_338, %mul3A_340 : vector<16xi32>
      %add3A_342 = arith.constant 2 : i32
      %add3A_343 = arith.addi %mul3A_36, %add3A_342 : i32
      %add3A_344 = vector.broadcast %add3A_343 : i32 to vector<16xi32>
      %add3A_345 = arith.addi %mul3A_341, %add3A_344 : vector<16xi32>
      %get3A_346 = arith.constant 2 : i32
      %get3A_347 = arith.index_cast %scan3A_34 : i32 to index
      %get3A_348 = arith.index_cast %get3A_346 : i32 to index
      %get3A_349 = arith.constant 64 : index
      %get3A_350 = tpu.vector_load %arg4[%get3A_347, %get3A_348, %get3A_349] {strides = array<i32>} : memref<25x8x128xi32, #tpu.memory_space<vmem>>, vector<16xi32>,
      tpu.vector_store_idx %arg5[%add3A_345], %get3A_350 : memref<25600xi32, #tpu.memory_space<vmem>>[vector<16xi32>], vector<16xi32>,
      %add3A_351 = arith.constant 80 : i32
      %add3A_352 = vector.broadcast %add3A_351 : i32 to vector<16xi32>
      %add3A_353 = arith.addi %iota3A, %add3A_352 : vector<16xi32>
      %mul3A_354 = arith.constant 200 : i32
      %mul3A_355 = vector.broadcast %mul3A_354 : i32 to vector<16xi32>
      %mul3A_356 = arith.muli %add3A_353, %mul3A_355 : vector<16xi32>
      %add3A_357 = arith.constant 2 : i32
      %add3A_358 = arith.addi %mul3A_36, %add3A_357 : i32
      %add3A_359 = vector.broadcast %add3A_358 : i32 to vector<16xi32>
      %add3A_360 = arith.addi %mul3A_356, %add3A_359 : vector<16xi32>
      %get3A_361 = arith.constant 2 : i32
      %get3A_362 = arith.index_cast %scan3A_34 : i32 to index
      %get3A_363 = arith.index_cast %get3A_361 : i32 to index
      %get3A_364 = arith.constant 80 : index
      %get3A_365 = tpu.vector_load %arg4[%get3A_362, %get3A_363, %get3A_364] {strides = array<i32>} : memref<25x8x128xi32, #tpu.memory_space<vmem>>, vector<16xi32>,
      tpu.vector_store_idx %arg5[%add3A_360], %get3A_365 : memref<25600xi32, #tpu.memory_space<vmem>>[vector<16xi32>], vector<16xi32>,
      %add3A_366 = arith.constant 96 : i32
      %add3A_367 = vector.broadcast %add3A_366 : i32 to vector<16xi32>
      %add3A_368 = arith.addi %iota3A, %add3A_367 : vector<16xi32>
      %mul3A_369 = arith.constant 200 : i32
      %mul3A_370 = vector.broadcast %mul3A_369 : i32 to vector<16xi32>
      %mul3A_371 = arith.muli %add3A_368, %mul3A_370 : vector<16xi32>
      %add3A_372 = arith.constant 2 : i32
      %add3A_373 = arith.addi %mul3A_36, %add3A_372 : i32
      %add3A_374 = vector.broadcast %add3A_373 : i32 to vector<16xi32>
      %add3A_375 = arith.addi %mul3A_371, %add3A_374 : vector<16xi32>
      %get3A_376 = arith.constant 2 : i32
      %get3A_377 = arith.index_cast %scan3A_34 : i32 to index
      %get3A_378 = arith.index_cast %get3A_376 : i32 to index
      %get3A_379 = arith.constant 96 : index
      %get3A_380 = tpu.vector_load %arg4[%get3A_377, %get3A_378, %get3A_379] {strides = array<i32>} : memref<25x8x128xi32, #tpu.memory_space<vmem>>, vector<16xi32>,
      tpu.vector_store_idx %arg5[%add3A_375], %get3A_380 : memref<25600xi32, #tpu.memory_space<vmem>>[vector<16xi32>], vector<16xi32>,
      %add3A_381 = arith.constant 112 : i32
      %add3A_382 = vector.broadcast %add3A_381 : i32 to vector<16xi32>
      %add3A_383 = arith.addi %iota3A, %add3A_382 : vector<16xi32>
      %mul3A_384 = arith.constant 200 : i32
      %mul3A_385 = vector.broadcast %mul3A_384 : i32 to vector<16xi32>
      %mul3A_386 = arith.muli %add3A_383, %mul3A_385 : vector<16xi32>
      %add3A_387 = arith.constant 2 : i32
      %add3A_388 = arith.addi %mul3A_36, %add3A_387 : i32
      %add3A_389 = vector.broadcast %add3A_388 : i32 to vector<16xi32>
      %add3A_390 = arith.addi %mul3A_386, %add3A_389 : vector<16xi32>
      %get3A_391 = arith.constant 2 : i32
      %get3A_392 = arith.index_cast %scan3A_34 : i32 to index
      %get3A_393 = arith.index_cast %get3A_391 : i32 to index
      %get3A_394 = arith.constant 112 : index
      %get3A_395 = tpu.vector_load %arg4[%get3A_392, %get3A_393, %get3A_394] {strides = array<i32>} : memref<25x8x128xi32, #tpu.memory_space<vmem>>, vector<16xi32>,
      tpu.vector_store_idx %arg5[%add3A_390], %get3A_395 : memref<25600xi32, #tpu.memory_space<vmem>>[vector<16xi32>], vector<16xi32>,
      %add3A_396 = arith.constant 0 : i32
      %add3A_397 = vector.broadcast %add3A_396 : i32 to vector<16xi32>
      %add3A_398 = arith.addi %iota3A, %add3A_397 : vector<16xi32>
      %mul3A_399 = arith.constant 200 : i32
      %mul3A_400 = vector.broadcast %mul3A_399 : i32 to vector<16xi32>
      %mul3A_401 = arith.muli %add3A_398, %mul3A_400 : vector<16xi32>
      %add3A_402 = arith.constant 3 : i32
      %add3A_403 = arith.addi %mul3A_36, %add3A_402 : i32
      %add3A_404 = vector.broadcast %add3A_403 : i32 to vector<16xi32>
      %add3A_405 = arith.addi %mul3A_401, %add3A_404 : vector<16xi32>
      %get3A_406 = arith.constant 3 : i32
      %get3A_407 = arith.index_cast %scan3A_34 : i32 to index
      %get3A_408 = arith.index_cast %get3A_406 : i32 to index
      %get3A_409 = arith.constant 0 : index
      %get3A_410 = tpu.vector_load %arg4[%get3A_407, %get3A_408, %get3A_409] {strides = array<i32>} : memref<25x8x128xi32, #tpu.memory_space<vmem>>, vector<16xi32>,
      tpu.vector_store_idx %arg5[%add3A_405], %get3A_410 : memref<25600xi32, #tpu.memory_space<vmem>>[vector<16xi32>], vector<16xi32>,
      %add3A_411 = arith.constant 16 : i32
      %add3A_412 = vector.broadcast %add3A_411 : i32 to vector<16xi32>
      %add3A_413 = arith.addi %iota3A, %add3A_412 : vector<16xi32>
      %mul3A_414 = arith.constant 200 : i32
      %mul3A_415 = vector.broadcast %mul3A_414 : i32 to vector<16xi32>
      %mul3A_416 = arith.muli %add3A_413, %mul3A_415 : vector<16xi32>
      %add3A_417 = arith.constant 3 : i32
      %add3A_418 = arith.addi %mul3A_36, %add3A_417 : i32
      %add3A_419 = vector.broadcast %add3A_418 : i32 to vector<16xi32>
      %add3A_420 = arith.addi %mul3A_416, %add3A_419 : vector<16xi32>
      %get3A_421 = arith.constant 3 : i32
      %get3A_422 = arith.index_cast %scan3A_34 : i32 to index
      %get3A_423 = arith.index_cast %get3A_421 : i32 to index
      %get3A_424 = arith.constant 16 : index
      %get3A_425 = tpu.vector_load %arg4[%get3A_422, %get3A_423, %get3A_424] {strides = array<i32>} : memref<25x8x128xi32, #tpu.memory_space<vmem>>, vector<16xi32>,
      tpu.vector_store_idx %arg5[%add3A_420], %get3A_425 : memref<25600xi32, #tpu.memory_space<vmem>>[vector<16xi32>], vector<16xi32>,
      %add3A_426 = arith.constant 32 : i32
      %add3A_427 = vector.broadcast %add3A_426 : i32 to vector<16xi32>
      %add3A_428 = arith.addi %iota3A, %add3A_427 : vector<16xi32>
      %mul3A_429 = arith.constant 200 : i32
      %mul3A_430 = vector.broadcast %mul3A_429 : i32 to vector<16xi32>
      %mul3A_431 = arith.muli %add3A_428, %mul3A_430 : vector<16xi32>
      %add3A_432 = arith.constant 3 : i32
      %add3A_433 = arith.addi %mul3A_36, %add3A_432 : i32
      %add3A_434 = vector.broadcast %add3A_433 : i32 to vector<16xi32>
      %add3A_435 = arith.addi %mul3A_431, %add3A_434 : vector<16xi32>
      %get3A_436 = arith.constant 3 : i32
      %get3A_437 = arith.index_cast %scan3A_34 : i32 to index
      %get3A_438 = arith.index_cast %get3A_436 : i32 to index
      %get3A_439 = arith.constant 32 : index
      %get3A_440 = tpu.vector_load %arg4[%get3A_437, %get3A_438, %get3A_439] {strides = array<i32>} : memref<25x8x128xi32, #tpu.memory_space<vmem>>, vector<16xi32>,
      tpu.vector_store_idx %arg5[%add3A_435], %get3A_440 : memref<25600xi32, #tpu.memory_space<vmem>>[vector<16xi32>], vector<16xi32>,
      %add3A_441 = arith.constant 48 : i32
      %add3A_442 = vector.broadcast %add3A_441 : i32 to vector<16xi32>
      %add3A_443 = arith.addi %iota3A, %add3A_442 : vector<16xi32>
      %mul3A_444 = arith.constant 200 : i32
      %mul3A_445 = vector.broadcast %mul3A_444 : i32 to vector<16xi32>
      %mul3A_446 = arith.muli %add3A_443, %mul3A_445 : vector<16xi32>
      %add3A_447 = arith.constant 3 : i32
      %add3A_448 = arith.addi %mul3A_36, %add3A_447 : i32
      %add3A_449 = vector.broadcast %add3A_448 : i32 to vector<16xi32>
      %add3A_450 = arith.addi %mul3A_446, %add3A_449 : vector<16xi32>
      %get3A_451 = arith.constant 3 : i32
      %get3A_452 = arith.index_cast %scan3A_34 : i32 to index
      %get3A_453 = arith.index_cast %get3A_451 : i32 to index
      %get3A_454 = arith.constant 48 : index
      %get3A_455 = tpu.vector_load %arg4[%get3A_452, %get3A_453, %get3A_454] {strides = array<i32>} : memref<25x8x128xi32, #tpu.memory_space<vmem>>, vector<16xi32>,
      tpu.vector_store_idx %arg5[%add3A_450], %get3A_455 : memref<25600xi32, #tpu.memory_space<vmem>>[vector<16xi32>], vector<16xi32>,
      %add3A_456 = arith.constant 64 : i32
      %add3A_457 = vector.broadcast %add3A_456 : i32 to vector<16xi32>
      %add3A_458 = arith.addi %iota3A, %add3A_457 : vector<16xi32>
      %mul3A_459 = arith.constant 200 : i32
      %mul3A_460 = vector.broadcast %mul3A_459 : i32 to vector<16xi32>
      %mul3A_461 = arith.muli %add3A_458, %mul3A_460 : vector<16xi32>
      %add3A_462 = arith.constant 3 : i32
      %add3A_463 = arith.addi %mul3A_36, %add3A_462 : i32
      %add3A_464 = vector.broadcast %add3A_463 : i32 to vector<16xi32>
      %add3A_465 = arith.addi %mul3A_461, %add3A_464 : vector<16xi32>
      %get3A_466 = arith.constant 3 : i32
      %get3A_467 = arith.index_cast %scan3A_34 : i32 to index
      %get3A_468 = arith.index_cast %get3A_466 : i32 to index
      %get3A_469 = arith.constant 64 : index
      %get3A_470 = tpu.vector_load %arg4[%get3A_467, %get3A_468, %get3A_469] {strides = array<i32>} : memref<25x8x128xi32, #tpu.memory_space<vmem>>, vector<16xi32>,
      tpu.vector_store_idx %arg5[%add3A_465], %get3A_470 : memref<25600xi32, #tpu.memory_space<vmem>>[vector<16xi32>], vector<16xi32>,
      %add3A_471 = arith.constant 80 : i32
      %add3A_472 = vector.broadcast %add3A_471 : i32 to vector<16xi32>
      %add3A_473 = arith.addi %iota3A, %add3A_472 : vector<16xi32>
      %mul3A_474 = arith.constant 200 : i32
      %mul3A_475 = vector.broadcast %mul3A_474 : i32 to vector<16xi32>
      %mul3A_476 = arith.muli %add3A_473, %mul3A_475 : vector<16xi32>
      %add3A_477 = arith.constant 3 : i32
      %add3A_478 = arith.addi %mul3A_36, %add3A_477 : i32
      %add3A_479 = vector.broadcast %add3A_478 : i32 to vector<16xi32>
      %add3A_480 = arith.addi %mul3A_476, %add3A_479 : vector<16xi32>
      %get3A_481 = arith.constant 3 : i32
      %get3A_482 = arith.index_cast %scan3A_34 : i32 to index
      %get3A_483 = arith.index_cast %get3A_481 : i32 to index
      %get3A_484 = arith.constant 80 : index
      %get3A_485 = tpu.vector_load %arg4[%get3A_482, %get3A_483, %get3A_484] {strides = array<i32>} : memref<25x8x128xi32, #tpu.memory_space<vmem>>, vector<16xi32>,
      tpu.vector_store_idx %arg5[%add3A_480], %get3A_485 : memref<25600xi32, #tpu.memory_space<vmem>>[vector<16xi32>], vector<16xi32>,
      %add3A_486 = arith.constant 96 : i32
      %add3A_487 = vector.broadcast %add3A_486 : i32 to vector<16xi32>
      %add3A_488 = arith.addi %iota3A, %add3A_487 : vector<16xi32>
      %mul3A_489 = arith.constant 200 : i32
      %mul3A_490 = vector.broadcast %mul3A_489 : i32 to vector<16xi32>
      %mul3A_491 = arith.muli %add3A_488, %mul3A_490 : vector<16xi32>
      %add3A_492 = arith.constant 3 : i32
      %add3A_493 = arith.addi %mul3A_36, %add3A_492 : i32
      %add3A_494 = vector.broadcast %add3A_493 : i32 to vector<16xi32>
      %add3A_495 = arith.addi %mul3A_491, %add3A_494 : vector<16xi32>
      %get3A_496 = arith.constant 3 : i32
      %get3A_497 = arith.index_cast %scan3A_34 : i32 to index
      %get3A_498 = arith.index_cast %get3A_496 : i32 to index
      %get3A_499 = arith.constant 96 : index
      %get3A_500 = tpu.vector_load %arg4[%get3A_497, %get3A_498, %get3A_499] {strides = array<i32>} : memref<25x8x128xi32, #tpu.memory_space<vmem>>, vector<16xi32>,
      tpu.vector_store_idx %arg5[%add3A_495], %get3A_500 : memref<25600xi32, #tpu.memory_space<vmem>>[vector<16xi32>], vector<16xi32>,
      %add3A_501 = arith.constant 112 : i32
      %add3A_502 = vector.broadcast %add3A_501 : i32 to vector<16xi32>
      %add3A_503 = arith.addi %iota3A, %add3A_502 : vector<16xi32>
      %mul3A_504 = arith.constant 200 : i32
      %mul3A_505 = vector.broadcast %mul3A_504 : i32 to vector<16xi32>
      %mul3A_506 = arith.muli %add3A_503, %mul3A_505 : vector<16xi32>
      %add3A_507 = arith.constant 3 : i32
      %add3A_508 = arith.addi %mul3A_36, %add3A_507 : i32
      %add3A_509 = vector.broadcast %add3A_508 : i32 to vector<16xi32>
      %add3A_510 = arith.addi %mul3A_506, %add3A_509 : vector<16xi32>
      %get3A_511 = arith.constant 3 : i32
      %get3A_512 = arith.index_cast %scan3A_34 : i32 to index
      %get3A_513 = arith.index_cast %get3A_511 : i32 to index
      %get3A_514 = arith.constant 112 : index
      %get3A_515 = tpu.vector_load %arg4[%get3A_512, %get3A_513, %get3A_514] {strides = array<i32>} : memref<25x8x128xi32, #tpu.memory_space<vmem>>, vector<16xi32>,
      tpu.vector_store_idx %arg5[%add3A_510], %get3A_515 : memref<25600xi32, #tpu.memory_space<vmem>>[vector<16xi32>], vector<16xi32>,
      %add3A_516 = arith.constant 0 : i32
      %add3A_517 = vector.broadcast %add3A_516 : i32 to vector<16xi32>
      %add3A_518 = arith.addi %iota3A, %add3A_517 : vector<16xi32>
      %mul3A_519 = arith.constant 200 : i32
      %mul3A_520 = vector.broadcast %mul3A_519 : i32 to vector<16xi32>
      %mul3A_521 = arith.muli %add3A_518, %mul3A_520 : vector<16xi32>
      %add3A_522 = arith.constant 4 : i32
      %add3A_523 = arith.addi %mul3A_36, %add3A_522 : i32
      %add3A_524 = vector.broadcast %add3A_523 : i32 to vector<16xi32>
      %add3A_525 = arith.addi %mul3A_521, %add3A_524 : vector<16xi32>
      %get3A_526 = arith.constant 4 : i32
      %get3A_527 = arith.index_cast %scan3A_34 : i32 to index
      %get3A_528 = arith.index_cast %get3A_526 : i32 to index
      %get3A_529 = arith.constant 0 : index
      %get3A_530 = tpu.vector_load %arg4[%get3A_527, %get3A_528, %get3A_529] {strides = array<i32>} : memref<25x8x128xi32, #tpu.memory_space<vmem>>, vector<16xi32>,
      tpu.vector_store_idx %arg5[%add3A_525], %get3A_530 : memref<25600xi32, #tpu.memory_space<vmem>>[vector<16xi32>], vector<16xi32>,
      %add3A_531 = arith.constant 16 : i32
      %add3A_532 = vector.broadcast %add3A_531 : i32 to vector<16xi32>
      %add3A_533 = arith.addi %iota3A, %add3A_532 : vector<16xi32>
      %mul3A_534 = arith.constant 200 : i32
      %mul3A_535 = vector.broadcast %mul3A_534 : i32 to vector<16xi32>
      %mul3A_536 = arith.muli %add3A_533, %mul3A_535 : vector<16xi32>
      %add3A_537 = arith.constant 4 : i32
      %add3A_538 = arith.addi %mul3A_36, %add3A_537 : i32
      %add3A_539 = vector.broadcast %add3A_538 : i32 to vector<16xi32>
      %add3A_540 = arith.addi %mul3A_536, %add3A_539 : vector<16xi32>
      %get3A_541 = arith.constant 4 : i32
      %get3A_542 = arith.index_cast %scan3A_34 : i32 to index
      %get3A_543 = arith.index_cast %get3A_541 : i32 to index
      %get3A_544 = arith.constant 16 : index
      %get3A_545 = tpu.vector_load %arg4[%get3A_542, %get3A_543, %get3A_544] {strides = array<i32>} : memref<25x8x128xi32, #tpu.memory_space<vmem>>, vector<16xi32>,
      tpu.vector_store_idx %arg5[%add3A_540], %get3A_545 : memref<25600xi32, #tpu.memory_space<vmem>>[vector<16xi32>], vector<16xi32>,
      %add3A_546 = arith.constant 32 : i32
      %add3A_547 = vector.broadcast %add3A_546 : i32 to vector<16xi32>
      %add3A_548 = arith.addi %iota3A, %add3A_547 : vector<16xi32>
      %mul3A_549 = arith.constant 200 : i32
      %mul3A_550 = vector.broadcast %mul3A_549 : i32 to vector<16xi32>
      %mul3A_551 = arith.muli %add3A_548, %mul3A_550 : vector<16xi32>
      %add3A_552 = arith.constant 4 : i32
      %add3A_553 = arith.addi %mul3A_36, %add3A_552 : i32
      %add3A_554 = vector.broadcast %add3A_553 : i32 to vector<16xi32>
      %add3A_555 = arith.addi %mul3A_551, %add3A_554 : vector<16xi32>
      %get3A_556 = arith.constant 4 : i32
      %get3A_557 = arith.index_cast %scan3A_34 : i32 to index
      %get3A_558 = arith.index_cast %get3A_556 : i32 to index
      %get3A_559 = arith.constant 32 : index
      %get3A_560 = tpu.vector_load %arg4[%get3A_557, %get3A_558, %get3A_559] {strides = array<i32>} : memref<25x8x128xi32, #tpu.memory_space<vmem>>, vector<16xi32>,
      tpu.vector_store_idx %arg5[%add3A_555], %get3A_560 : memref<25600xi32, #tpu.memory_space<vmem>>[vector<16xi32>], vector<16xi32>,
      %add3A_561 = arith.constant 48 : i32
      %add3A_562 = vector.broadcast %add3A_561 : i32 to vector<16xi32>
      %add3A_563 = arith.addi %iota3A, %add3A_562 : vector<16xi32>
      %mul3A_564 = arith.constant 200 : i32
      %mul3A_565 = vector.broadcast %mul3A_564 : i32 to vector<16xi32>
      %mul3A_566 = arith.muli %add3A_563, %mul3A_565 : vector<16xi32>
      %add3A_567 = arith.constant 4 : i32
      %add3A_568 = arith.addi %mul3A_36, %add3A_567 : i32
      %add3A_569 = vector.broadcast %add3A_568 : i32 to vector<16xi32>
      %add3A_570 = arith.addi %mul3A_566, %add3A_569 : vector<16xi32>
      %get3A_571 = arith.constant 4 : i32
      %get3A_572 = arith.index_cast %scan3A_34 : i32 to index
      %get3A_573 = arith.index_cast %get3A_571 : i32 to index
      %get3A_574 = arith.constant 48 : index
      %get3A_575 = tpu.vector_load %arg4[%get3A_572, %get3A_573, %get3A_574] {strides = array<i32>} : memref<25x8x128xi32, #tpu.memory_space<vmem>>, vector<16xi32>,
      tpu.vector_store_idx %arg5[%add3A_570], %get3A_575 : memref<25600xi32, #tpu.memory_space<vmem>>[vector<16xi32>], vector<16xi32>,
      %add3A_576 = arith.constant 64 : i32
      %add3A_577 = vector.broadcast %add3A_576 : i32 to vector<16xi32>
      %add3A_578 = arith.addi %iota3A, %add3A_577 : vector<16xi32>
      %mul3A_579 = arith.constant 200 : i32
      %mul3A_580 = vector.broadcast %mul3A_579 : i32 to vector<16xi32>
      %mul3A_581 = arith.muli %add3A_578, %mul3A_580 : vector<16xi32>
      %add3A_582 = arith.constant 4 : i32
      %add3A_583 = arith.addi %mul3A_36, %add3A_582 : i32
      %add3A_584 = vector.broadcast %add3A_583 : i32 to vector<16xi32>
      %add3A_585 = arith.addi %mul3A_581, %add3A_584 : vector<16xi32>
      %get3A_586 = arith.constant 4 : i32
      %get3A_587 = arith.index_cast %scan3A_34 : i32 to index
      %get3A_588 = arith.index_cast %get3A_586 : i32 to index
      %get3A_589 = arith.constant 64 : index
      %get3A_590 = tpu.vector_load %arg4[%get3A_587, %get3A_588, %get3A_589] {strides = array<i32>} : memref<25x8x128xi32, #tpu.memory_space<vmem>>, vector<16xi32>,
      tpu.vector_store_idx %arg5[%add3A_585], %get3A_590 : memref<25600xi32, #tpu.memory_space<vmem>>[vector<16xi32>], vector<16xi32>,
      %add3A_591 = arith.constant 80 : i32
      %add3A_592 = vector.broadcast %add3A_591 : i32 to vector<16xi32>
      %add3A_593 = arith.addi %iota3A, %add3A_592 : vector<16xi32>
      %mul3A_594 = arith.constant 200 : i32
      %mul3A_595 = vector.broadcast %mul3A_594 : i32 to vector<16xi32>
      %mul3A_596 = arith.muli %add3A_593, %mul3A_595 : vector<16xi32>
      %add3A_597 = arith.constant 4 : i32
      %add3A_598 = arith.addi %mul3A_36, %add3A_597 : i32
      %add3A_599 = vector.broadcast %add3A_598 : i32 to vector<16xi32>
      %add3A_600 = arith.addi %mul3A_596, %add3A_599 : vector<16xi32>
      %get3A_601 = arith.constant 4 : i32
      %get3A_602 = arith.index_cast %scan3A_34 : i32 to index
      %get3A_603 = arith.index_cast %get3A_601 : i32 to index
      %get3A_604 = arith.constant 80 : index
      %get3A_605 = tpu.vector_load %arg4[%get3A_602, %get3A_603, %get3A_604] {strides = array<i32>} : memref<25x8x128xi32, #tpu.memory_space<vmem>>, vector<16xi32>,
      tpu.vector_store_idx %arg5[%add3A_600], %get3A_605 : memref<25600xi32, #tpu.memory_space<vmem>>[vector<16xi32>], vector<16xi32>,
      %add3A_606 = arith.constant 96 : i32
      %add3A_607 = vector.broadcast %add3A_606 : i32 to vector<16xi32>
      %add3A_608 = arith.addi %iota3A, %add3A_607 : vector<16xi32>
      %mul3A_609 = arith.constant 200 : i32
      %mul3A_610 = vector.broadcast %mul3A_609 : i32 to vector<16xi32>
      %mul3A_611 = arith.muli %add3A_608, %mul3A_610 : vector<16xi32>
      %add3A_612 = arith.constant 4 : i32
      %add3A_613 = arith.addi %mul3A_36, %add3A_612 : i32
      %add3A_614 = vector.broadcast %add3A_613 : i32 to vector<16xi32>
      %add3A_615 = arith.addi %mul3A_611, %add3A_614 : vector<16xi32>
      %get3A_616 = arith.constant 4 : i32
      %get3A_617 = arith.index_cast %scan3A_34 : i32 to index
      %get3A_618 = arith.index_cast %get3A_616 : i32 to index
      %get3A_619 = arith.constant 96 : index
      %get3A_620 = tpu.vector_load %arg4[%get3A_617, %get3A_618, %get3A_619] {strides = array<i32>} : memref<25x8x128xi32, #tpu.memory_space<vmem>>, vector<16xi32>,
      tpu.vector_store_idx %arg5[%add3A_615], %get3A_620 : memref<25600xi32, #tpu.memory_space<vmem>>[vector<16xi32>], vector<16xi32>,
      %add3A_621 = arith.constant 112 : i32
      %add3A_622 = vector.broadcast %add3A_621 : i32 to vector<16xi32>
      %add3A_623 = arith.addi %iota3A, %add3A_622 : vector<16xi32>
      %mul3A_624 = arith.constant 200 : i32
      %mul3A_625 = vector.broadcast %mul3A_624 : i32 to vector<16xi32>
      %mul3A_626 = arith.muli %add3A_623, %mul3A_625 : vector<16xi32>
      %add3A_627 = arith.constant 4 : i32
      %add3A_628 = arith.addi %mul3A_36, %add3A_627 : i32
      %add3A_629 = vector.broadcast %add3A_628 : i32 to vector<16xi32>
      %add3A_630 = arith.addi %mul3A_626, %add3A_629 : vector<16xi32>
      %get3A_631 = arith.constant 4 : i32
      %get3A_632 = arith.index_cast %scan3A_34 : i32 to index
      %get3A_633 = arith.index_cast %get3A_631 : i32 to index
      %get3A_634 = arith.constant 112 : index
      %get3A_635 = tpu.vector_load %arg4[%get3A_632, %get3A_633, %get3A_634] {strides = array<i32>} : memref<25x8x128xi32, #tpu.memory_space<vmem>>, vector<16xi32>,
      tpu.vector_store_idx %arg5[%add3A_630], %get3A_635 : memref<25600xi32, #tpu.memory_space<vmem>>[vector<16xi32>], vector<16xi32>,
      %add3A_636 = arith.constant 0 : i32
      %add3A_637 = vector.broadcast %add3A_636 : i32 to vector<16xi32>
      %add3A_638 = arith.addi %iota3A, %add3A_637 : vector<16xi32>
      %mul3A_639 = arith.constant 200 : i32
      %mul3A_640 = vector.broadcast %mul3A_639 : i32 to vector<16xi32>
      %mul3A_641 = arith.muli %add3A_638, %mul3A_640 : vector<16xi32>
      %add3A_642 = arith.constant 5 : i32
      %add3A_643 = arith.addi %mul3A_36, %add3A_642 : i32
      %add3A_644 = vector.broadcast %add3A_643 : i32 to vector<16xi32>
      %add3A_645 = arith.addi %mul3A_641, %add3A_644 : vector<16xi32>
      %get3A_646 = arith.constant 5 : i32
      %get3A_647 = arith.index_cast %scan3A_34 : i32 to index
      %get3A_648 = arith.index_cast %get3A_646 : i32 to index
      %get3A_649 = arith.constant 0 : index
      %get3A_650 = tpu.vector_load %arg4[%get3A_647, %get3A_648, %get3A_649] {strides = array<i32>} : memref<25x8x128xi32, #tpu.memory_space<vmem>>, vector<16xi32>,
      tpu.vector_store_idx %arg5[%add3A_645], %get3A_650 : memref<25600xi32, #tpu.memory_space<vmem>>[vector<16xi32>], vector<16xi32>,
      %add3A_651 = arith.constant 16 : i32
      %add3A_652 = vector.broadcast %add3A_651 : i32 to vector<16xi32>
      %add3A_653 = arith.addi %iota3A, %add3A_652 : vector<16xi32>
      %mul3A_654 = arith.constant 200 : i32
      %mul3A_655 = vector.broadcast %mul3A_654 : i32 to vector<16xi32>
      %mul3A_656 = arith.muli %add3A_653, %mul3A_655 : vector<16xi32>
      %add3A_657 = arith.constant 5 : i32
      %add3A_658 = arith.addi %mul3A_36, %add3A_657 : i32
      %add3A_659 = vector.broadcast %add3A_658 : i32 to vector<16xi32>
      %add3A_660 = arith.addi %mul3A_656, %add3A_659 : vector<16xi32>
      %get3A_661 = arith.constant 5 : i32
      %get3A_662 = arith.index_cast %scan3A_34 : i32 to index
      %get3A_663 = arith.index_cast %get3A_661 : i32 to index
      %get3A_664 = arith.constant 16 : index
      %get3A_665 = tpu.vector_load %arg4[%get3A_662, %get3A_663, %get3A_664] {strides = array<i32>} : memref<25x8x128xi32, #tpu.memory_space<vmem>>, vector<16xi32>,
      tpu.vector_store_idx %arg5[%add3A_660], %get3A_665 : memref<25600xi32, #tpu.memory_space<vmem>>[vector<16xi32>], vector<16xi32>,
      %add3A_666 = arith.constant 32 : i32
      %add3A_667 = vector.broadcast %add3A_666 : i32 to vector<16xi32>
      %add3A_668 = arith.addi %iota3A, %add3A_667 : vector<16xi32>
      %mul3A_669 = arith.constant 200 : i32
      %mul3A_670 = vector.broadcast %mul3A_669 : i32 to vector<16xi32>
      %mul3A_671 = arith.muli %add3A_668, %mul3A_670 : vector<16xi32>
      %add3A_672 = arith.constant 5 : i32
      %add3A_673 = arith.addi %mul3A_36, %add3A_672 : i32
      %add3A_674 = vector.broadcast %add3A_673 : i32 to vector<16xi32>
      %add3A_675 = arith.addi %mul3A_671, %add3A_674 : vector<16xi32>
      %get3A_676 = arith.constant 5 : i32
      %get3A_677 = arith.index_cast %scan3A_34 : i32 to index
      %get3A_678 = arith.index_cast %get3A_676 : i32 to index
      %get3A_679 = arith.constant 32 : index
      %get3A_680 = tpu.vector_load %arg4[%get3A_677, %get3A_678, %get3A_679] {strides = array<i32>} : memref<25x8x128xi32, #tpu.memory_space<vmem>>, vector<16xi32>,
      tpu.vector_store_idx %arg5[%add3A_675], %get3A_680 : memref<25600xi32, #tpu.memory_space<vmem>>[vector<16xi32>], vector<16xi32>,
      %add3A_681 = arith.constant 48 : i32
      %add3A_682 = vector.broadcast %add3A_681 : i32 to vector<16xi32>
      %add3A_683 = arith.addi %iota3A, %add3A_682 : vector<16xi32>
      %mul3A_684 = arith.constant 200 : i32
      %mul3A_685 = vector.broadcast %mul3A_684 : i32 to vector<16xi32>
      %mul3A_686 = arith.muli %add3A_683, %mul3A_685 : vector<16xi32>
      %add3A_687 = arith.constant 5 : i32
      %add3A_688 = arith.addi %mul3A_36, %add3A_687 : i32
      %add3A_689 = vector.broadcast %add3A_688 : i32 to vector<16xi32>
      %add3A_690 = arith.addi %mul3A_686, %add3A_689 : vector<16xi32>
      %get3A_691 = arith.constant 5 : i32
      %get3A_692 = arith.index_cast %scan3A_34 : i32 to index
      %get3A_693 = arith.index_cast %get3A_691 : i32 to index
      %get3A_694 = arith.constant 48 : index
      %get3A_695 = tpu.vector_load %arg4[%get3A_692, %get3A_693, %get3A_694] {strides = array<i32>} : memref<25x8x128xi32, #tpu.memory_space<vmem>>, vector<16xi32>,
      tpu.vector_store_idx %arg5[%add3A_690], %get3A_695 : memref<25600xi32, #tpu.memory_space<vmem>>[vector<16xi32>], vector<16xi32>,
      %add3A_696 = arith.constant 64 : i32
      %add3A_697 = vector.broadcast %add3A_696 : i32 to vector<16xi32>
      %add3A_698 = arith.addi %iota3A, %add3A_697 : vector<16xi32>
      %mul3A_699 = arith.constant 200 : i32
      %mul3A_700 = vector.broadcast %mul3A_699 : i32 to vector<16xi32>
      %mul3A_701 = arith.muli %add3A_698, %mul3A_700 : vector<16xi32>
      %add3A_702 = arith.constant 5 : i32
      %add3A_703 = arith.addi %mul3A_36, %add3A_702 : i32
      %add3A_704 = vector.broadcast %add3A_703 : i32 to vector<16xi32>
      %add3A_705 = arith.addi %mul3A_701, %add3A_704 : vector<16xi32>
      %get3A_706 = arith.constant 5 : i32
      %get3A_707 = arith.index_cast %scan3A_34 : i32 to index
      %get3A_708 = arith.index_cast %get3A_706 : i32 to index
      %get3A_709 = arith.constant 64 : index
      %get3A_710 = tpu.vector_load %arg4[%get3A_707, %get3A_708, %get3A_709] {strides = array<i32>} : memref<25x8x128xi32, #tpu.memory_space<vmem>>, vector<16xi32>,
      tpu.vector_store_idx %arg5[%add3A_705], %get3A_710 : memref<25600xi32, #tpu.memory_space<vmem>>[vector<16xi32>], vector<16xi32>,
      %add3A_711 = arith.constant 80 : i32
      %add3A_712 = vector.broadcast %add3A_711 : i32 to vector<16xi32>
      %add3A_713 = arith.addi %iota3A, %add3A_712 : vector<16xi32>
      %mul3A_714 = arith.constant 200 : i32
      %mul3A_715 = vector.broadcast %mul3A_714 : i32 to vector<16xi32>
      %mul3A_716 = arith.muli %add3A_713, %mul3A_715 : vector<16xi32>
      %add3A_717 = arith.constant 5 : i32
      %add3A_718 = arith.addi %mul3A_36, %add3A_717 : i32
      %add3A_719 = vector.broadcast %add3A_718 : i32 to vector<16xi32>
      %add3A_720 = arith.addi %mul3A_716, %add3A_719 : vector<16xi32>
      %get3A_721 = arith.constant 5 : i32
      %get3A_722 = arith.index_cast %scan3A_34 : i32 to index
      %get3A_723 = arith.index_cast %get3A_721 : i32 to index
      %get3A_724 = arith.constant 80 : index
      %get3A_725 = tpu.vector_load %arg4[%get3A_722, %get3A_723, %get3A_724] {strides = array<i32>} : memref<25x8x128xi32, #tpu.memory_space<vmem>>, vector<16xi32>,
      tpu.vector_store_idx %arg5[%add3A_720], %get3A_725 : memref<25600xi32, #tpu.memory_space<vmem>>[vector<16xi32>], vector<16xi32>,
      %add3A_726 = arith.constant 96 : i32
      %add3A_727 = vector.broadcast %add3A_726 : i32 to vector<16xi32>
      %add3A_728 = arith.addi %iota3A, %add3A_727 : vector<16xi32>
      %mul3A_729 = arith.constant 200 : i32
      %mul3A_730 = vector.broadcast %mul3A_729 : i32 to vector<16xi32>
      %mul3A_731 = arith.muli %add3A_728, %mul3A_730 : vector<16xi32>
      %add3A_732 = arith.constant 5 : i32
      %add3A_733 = arith.addi %mul3A_36, %add3A_732 : i32
      %add3A_734 = vector.broadcast %add3A_733 : i32 to vector<16xi32>
      %add3A_735 = arith.addi %mul3A_731, %add3A_734 : vector<16xi32>
      %get3A_736 = arith.constant 5 : i32
      %get3A_737 = arith.index_cast %scan3A_34 : i32 to index
      %get3A_738 = arith.index_cast %get3A_736 : i32 to index
      %get3A_739 = arith.constant 96 : index
      %get3A_740 = tpu.vector_load %arg4[%get3A_737, %get3A_738, %get3A_739] {strides = array<i32>} : memref<25x8x128xi32, #tpu.memory_space<vmem>>, vector<16xi32>,
      tpu.vector_store_idx %arg5[%add3A_735], %get3A_740 : memref<25600xi32, #tpu.memory_space<vmem>>[vector<16xi32>], vector<16xi32>,
      %add3A_741 = arith.constant 112 : i32
      %add3A_742 = vector.broadcast %add3A_741 : i32 to vector<16xi32>
      %add3A_743 = arith.addi %iota3A, %add3A_742 : vector<16xi32>
      %mul3A_744 = arith.constant 200 : i32
      %mul3A_745 = vector.broadcast %mul3A_744 : i32 to vector<16xi32>
      %mul3A_746 = arith.muli %add3A_743, %mul3A_745 : vector<16xi32>
      %add3A_747 = arith.constant 5 : i32
      %add3A_748 = arith.addi %mul3A_36, %add3A_747 : i32
      %add3A_749 = vector.broadcast %add3A_748 : i32 to vector<16xi32>
      %add3A_750 = arith.addi %mul3A_746, %add3A_749 : vector<16xi32>
      %get3A_751 = arith.constant 5 : i32
      %get3A_752 = arith.index_cast %scan3A_34 : i32 to index
      %get3A_753 = arith.index_cast %get3A_751 : i32 to index
      %get3A_754 = arith.constant 112 : index
      %get3A_755 = tpu.vector_load %arg4[%get3A_752, %get3A_753, %get3A_754] {strides = array<i32>} : memref<25x8x128xi32, #tpu.memory_space<vmem>>, vector<16xi32>,
      tpu.vector_store_idx %arg5[%add3A_750], %get3A_755 : memref<25600xi32, #tpu.memory_space<vmem>>[vector<16xi32>], vector<16xi32>,
      %add3A_756 = arith.constant 0 : i32
      %add3A_757 = vector.broadcast %add3A_756 : i32 to vector<16xi32>
      %add3A_758 = arith.addi %iota3A, %add3A_757 : vector<16xi32>
      %mul3A_759 = arith.constant 200 : i32
      %mul3A_760 = vector.broadcast %mul3A_759 : i32 to vector<16xi32>
      %mul3A_761 = arith.muli %add3A_758, %mul3A_760 : vector<16xi32>
      %add3A_762 = arith.constant 6 : i32
      %add3A_763 = arith.addi %mul3A_36, %add3A_762 : i32
      %add3A_764 = vector.broadcast %add3A_763 : i32 to vector<16xi32>
      %add3A_765 = arith.addi %mul3A_761, %add3A_764 : vector<16xi32>
      %get3A_766 = arith.constant 6 : i32
      %get3A_767 = arith.index_cast %scan3A_34 : i32 to index
      %get3A_768 = arith.index_cast %get3A_766 : i32 to index
      %get3A_769 = arith.constant 0 : index
      %get3A_770 = tpu.vector_load %arg4[%get3A_767, %get3A_768, %get3A_769] {strides = array<i32>} : memref<25x8x128xi32, #tpu.memory_space<vmem>>, vector<16xi32>,
      tpu.vector_store_idx %arg5[%add3A_765], %get3A_770 : memref<25600xi32, #tpu.memory_space<vmem>>[vector<16xi32>], vector<16xi32>,
      %add3A_771 = arith.constant 16 : i32
      %add3A_772 = vector.broadcast %add3A_771 : i32 to vector<16xi32>
      %add3A_773 = arith.addi %iota3A, %add3A_772 : vector<16xi32>
      %mul3A_774 = arith.constant 200 : i32
      %mul3A_775 = vector.broadcast %mul3A_774 : i32 to vector<16xi32>
      %mul3A_776 = arith.muli %add3A_773, %mul3A_775 : vector<16xi32>
      %add3A_777 = arith.constant 6 : i32
      %add3A_778 = arith.addi %mul3A_36, %add3A_777 : i32
      %add3A_779 = vector.broadcast %add3A_778 : i32 to vector<16xi32>
      %add3A_780 = arith.addi %mul3A_776, %add3A_779 : vector<16xi32>
      %get3A_781 = arith.constant 6 : i32
      %get3A_782 = arith.index_cast %scan3A_34 : i32 to index
      %get3A_783 = arith.index_cast %get3A_781 : i32 to index
      %get3A_784 = arith.constant 16 : index
      %get3A_785 = tpu.vector_load %arg4[%get3A_782, %get3A_783, %get3A_784] {strides = array<i32>} : memref<25x8x128xi32, #tpu.memory_space<vmem>>, vector<16xi32>,
      tpu.vector_store_idx %arg5[%add3A_780], %get3A_785 : memref<25600xi32, #tpu.memory_space<vmem>>[vector<16xi32>], vector<16xi32>,
      %add3A_786 = arith.constant 32 : i32
      %add3A_787 = vector.broadcast %add3A_786 : i32 to vector<16xi32>
      %add3A_788 = arith.addi %iota3A, %add3A_787 : vector<16xi32>
      %mul3A_789 = arith.constant 200 : i32
      %mul3A_790 = vector.broadcast %mul3A_789 : i32 to vector<16xi32>
      %mul3A_791 = arith.muli %add3A_788, %mul3A_790 : vector<16xi32>
      %add3A_792 = arith.constant 6 : i32
      %add3A_793 = arith.addi %mul3A_36, %add3A_792 : i32
      %add3A_794 = vector.broadcast %add3A_793 : i32 to vector<16xi32>
      %add3A_795 = arith.addi %mul3A_791, %add3A_794 : vector<16xi32>
      %get3A_796 = arith.constant 6 : i32
      %get3A_797 = arith.index_cast %scan3A_34 : i32 to index
      %get3A_798 = arith.index_cast %get3A_796 : i32 to index
      %get3A_799 = arith.constant 32 : index
      %get3A_800 = tpu.vector_load %arg4[%get3A_797, %get3A_798, %get3A_799] {strides = array<i32>} : memref<25x8x128xi32, #tpu.memory_space<vmem>>, vector<16xi32>,
      tpu.vector_store_idx %arg5[%add3A_795], %get3A_800 : memref<25600xi32, #tpu.memory_space<vmem>>[vector<16xi32>], vector<16xi32>,
      %add3A_801 = arith.constant 48 : i32
      %add3A_802 = vector.broadcast %add3A_801 : i32 to vector<16xi32>
      %add3A_803 = arith.addi %iota3A, %add3A_802 : vector<16xi32>
      %mul3A_804 = arith.constant 200 : i32
      %mul3A_805 = vector.broadcast %mul3A_804 : i32 to vector<16xi32>
      %mul3A_806 = arith.muli %add3A_803, %mul3A_805 : vector<16xi32>
      %add3A_807 = arith.constant 6 : i32
      %add3A_808 = arith.addi %mul3A_36, %add3A_807 : i32
      %add3A_809 = vector.broadcast %add3A_808 : i32 to vector<16xi32>
      %add3A_810 = arith.addi %mul3A_806, %add3A_809 : vector<16xi32>
      %get3A_811 = arith.constant 6 : i32
      %get3A_812 = arith.index_cast %scan3A_34 : i32 to index
      %get3A_813 = arith.index_cast %get3A_811 : i32 to index
      %get3A_814 = arith.constant 48 : index
      %get3A_815 = tpu.vector_load %arg4[%get3A_812, %get3A_813, %get3A_814] {strides = array<i32>} : memref<25x8x128xi32, #tpu.memory_space<vmem>>, vector<16xi32>,
      tpu.vector_store_idx %arg5[%add3A_810], %get3A_815 : memref<25600xi32, #tpu.memory_space<vmem>>[vector<16xi32>], vector<16xi32>,
      %add3A_816 = arith.constant 64 : i32
      %add3A_817 = vector.broadcast %add3A_816 : i32 to vector<16xi32>
      %add3A_818 = arith.addi %iota3A, %add3A_817 : vector<16xi32>
      %mul3A_819 = arith.constant 200 : i32
      %mul3A_820 = vector.broadcast %mul3A_819 : i32 to vector<16xi32>
      %mul3A_821 = arith.muli %add3A_818, %mul3A_820 : vector<16xi32>
      %add3A_822 = arith.constant 6 : i32
      %add3A_823 = arith.addi %mul3A_36, %add3A_822 : i32
      %add3A_824 = vector.broadcast %add3A_823 : i32 to vector<16xi32>
      %add3A_825 = arith.addi %mul3A_821, %add3A_824 : vector<16xi32>
      %get3A_826 = arith.constant 6 : i32
      %get3A_827 = arith.index_cast %scan3A_34 : i32 to index
      %get3A_828 = arith.index_cast %get3A_826 : i32 to index
      %get3A_829 = arith.constant 64 : index
      %get3A_830 = tpu.vector_load %arg4[%get3A_827, %get3A_828, %get3A_829] {strides = array<i32>} : memref<25x8x128xi32, #tpu.memory_space<vmem>>, vector<16xi32>,
      tpu.vector_store_idx %arg5[%add3A_825], %get3A_830 : memref<25600xi32, #tpu.memory_space<vmem>>[vector<16xi32>], vector<16xi32>,
      %add3A_831 = arith.constant 80 : i32
      %add3A_832 = vector.broadcast %add3A_831 : i32 to vector<16xi32>
      %add3A_833 = arith.addi %iota3A, %add3A_832 : vector<16xi32>
      %mul3A_834 = arith.constant 200 : i32
      %mul3A_835 = vector.broadcast %mul3A_834 : i32 to vector<16xi32>
      %mul3A_836 = arith.muli %add3A_833, %mul3A_835 : vector<16xi32>
      %add3A_837 = arith.constant 6 : i32
      %add3A_838 = arith.addi %mul3A_36, %add3A_837 : i32
      %add3A_839 = vector.broadcast %add3A_838 : i32 to vector<16xi32>
      %add3A_840 = arith.addi %mul3A_836, %add3A_839 : vector<16xi32>
      %get3A_841 = arith.constant 6 : i32
      %get3A_842 = arith.index_cast %scan3A_34 : i32 to index
      %get3A_843 = arith.index_cast %get3A_841 : i32 to index
      %get3A_844 = arith.constant 80 : index
      %get3A_845 = tpu.vector_load %arg4[%get3A_842, %get3A_843, %get3A_844] {strides = array<i32>} : memref<25x8x128xi32, #tpu.memory_space<vmem>>, vector<16xi32>,
      tpu.vector_store_idx %arg5[%add3A_840], %get3A_845 : memref<25600xi32, #tpu.memory_space<vmem>>[vector<16xi32>], vector<16xi32>,
      %add3A_846 = arith.constant 96 : i32
      %add3A_847 = vector.broadcast %add3A_846 : i32 to vector<16xi32>
      %add3A_848 = arith.addi %iota3A, %add3A_847 : vector<16xi32>
      %mul3A_849 = arith.constant 200 : i32
      %mul3A_850 = vector.broadcast %mul3A_849 : i32 to vector<16xi32>
      %mul3A_851 = arith.muli %add3A_848, %mul3A_850 : vector<16xi32>
      %add3A_852 = arith.constant 6 : i32
      %add3A_853 = arith.addi %mul3A_36, %add3A_852 : i32
      %add3A_854 = vector.broadcast %add3A_853 : i32 to vector<16xi32>
      %add3A_855 = arith.addi %mul3A_851, %add3A_854 : vector<16xi32>
      %get3A_856 = arith.constant 6 : i32
      %get3A_857 = arith.index_cast %scan3A_34 : i32 to index
      %get3A_858 = arith.index_cast %get3A_856 : i32 to index
      %get3A_859 = arith.constant 96 : index
      %get3A_860 = tpu.vector_load %arg4[%get3A_857, %get3A_858, %get3A_859] {strides = array<i32>} : memref<25x8x128xi32, #tpu.memory_space<vmem>>, vector<16xi32>,
      tpu.vector_store_idx %arg5[%add3A_855], %get3A_860 : memref<25600xi32, #tpu.memory_space<vmem>>[vector<16xi32>], vector<16xi32>,
      %add3A_861 = arith.constant 112 : i32
      %add3A_862 = vector.broadcast %add3A_861 : i32 to vector<16xi32>
      %add3A_863 = arith.addi %iota3A, %add3A_862 : vector<16xi32>
      %mul3A_864 = arith.constant 200 : i32
      %mul3A_865 = vector.broadcast %mul3A_864 : i32 to vector<16xi32>
      %mul3A_866 = arith.muli %add3A_863, %mul3A_865 : vector<16xi32>
      %add3A_867 = arith.constant 6 : i32
      %add3A_868 = arith.addi %mul3A_36, %add3A_867 : i32
      %add3A_869 = vector.broadcast %add3A_868 : i32 to vector<16xi32>
      %add3A_870 = arith.addi %mul3A_866, %add3A_869 : vector<16xi32>
      %get3A_871 = arith.constant 6 : i32
      %get3A_872 = arith.index_cast %scan3A_34 : i32 to index
      %get3A_873 = arith.index_cast %get3A_871 : i32 to index
      %get3A_874 = arith.constant 112 : index
      %get3A_875 = tpu.vector_load %arg4[%get3A_872, %get3A_873, %get3A_874] {strides = array<i32>} : memref<25x8x128xi32, #tpu.memory_space<vmem>>, vector<16xi32>,
      tpu.vector_store_idx %arg5[%add3A_870], %get3A_875 : memref<25600xi32, #tpu.memory_space<vmem>>[vector<16xi32>], vector<16xi32>,
      %add3A_876 = arith.constant 0 : i32
      %add3A_877 = vector.broadcast %add3A_876 : i32 to vector<16xi32>
      %add3A_878 = arith.addi %iota3A, %add3A_877 : vector<16xi32>
      %mul3A_879 = arith.constant 200 : i32
      %mul3A_880 = vector.broadcast %mul3A_879 : i32 to vector<16xi32>
      %mul3A_881 = arith.muli %add3A_878, %mul3A_880 : vector<16xi32>
      %add3A_882 = arith.constant 7 : i32
      %add3A_883 = arith.addi %mul3A_36, %add3A_882 : i32
      %add3A_884 = vector.broadcast %add3A_883 : i32 to vector<16xi32>
      %add3A_885 = arith.addi %mul3A_881, %add3A_884 : vector<16xi32>
      %get3A_886 = arith.constant 7 : i32
      %get3A_887 = arith.index_cast %scan3A_34 : i32 to index
      %get3A_888 = arith.index_cast %get3A_886 : i32 to index
      %get3A_889 = arith.constant 0 : index
      %get3A_890 = tpu.vector_load %arg4[%get3A_887, %get3A_888, %get3A_889] {strides = array<i32>} : memref<25x8x128xi32, #tpu.memory_space<vmem>>, vector<16xi32>,
      tpu.vector_store_idx %arg5[%add3A_885], %get3A_890 : memref<25600xi32, #tpu.memory_space<vmem>>[vector<16xi32>], vector<16xi32>,
      %add3A_891 = arith.constant 16 : i32
      %add3A_892 = vector.broadcast %add3A_891 : i32 to vector<16xi32>
      %add3A_893 = arith.addi %iota3A, %add3A_892 : vector<16xi32>
      %mul3A_894 = arith.constant 200 : i32
      %mul3A_895 = vector.broadcast %mul3A_894 : i32 to vector<16xi32>
      %mul3A_896 = arith.muli %add3A_893, %mul3A_895 : vector<16xi32>
      %add3A_897 = arith.constant 7 : i32
      %add3A_898 = arith.addi %mul3A_36, %add3A_897 : i32
      %add3A_899 = vector.broadcast %add3A_898 : i32 to vector<16xi32>
      %add3A_900 = arith.addi %mul3A_896, %add3A_899 : vector<16xi32>
      %get3A_901 = arith.constant 7 : i32
      %get3A_902 = arith.index_cast %scan3A_34 : i32 to index
      %get3A_903 = arith.index_cast %get3A_901 : i32 to index
      %get3A_904 = arith.constant 16 : index
      %get3A_905 = tpu.vector_load %arg4[%get3A_902, %get3A_903, %get3A_904] {strides = array<i32>} : memref<25x8x128xi32, #tpu.memory_space<vmem>>, vector<16xi32>,
      tpu.vector_store_idx %arg5[%add3A_900], %get3A_905 : memref<25600xi32, #tpu.memory_space<vmem>>[vector<16xi32>], vector<16xi32>,
      %add3A_906 = arith.constant 32 : i32
      %add3A_907 = vector.broadcast %add3A_906 : i32 to vector<16xi32>
      %add3A_908 = arith.addi %iota3A, %add3A_907 : vector<16xi32>
      %mul3A_909 = arith.constant 200 : i32
      %mul3A_910 = vector.broadcast %mul3A_909 : i32 to vector<16xi32>
      %mul3A_911 = arith.muli %add3A_908, %mul3A_910 : vector<16xi32>
      %add3A_912 = arith.constant 7 : i32
      %add3A_913 = arith.addi %mul3A_36, %add3A_912 : i32
      %add3A_914 = vector.broadcast %add3A_913 : i32 to vector<16xi32>
      %add3A_915 = arith.addi %mul3A_911, %add3A_914 : vector<16xi32>
      %get3A_916 = arith.constant 7 : i32
      %get3A_917 = arith.index_cast %scan3A_34 : i32 to index
      %get3A_918 = arith.index_cast %get3A_916 : i32 to index
      %get3A_919 = arith.constant 32 : index
      %get3A_920 = tpu.vector_load %arg4[%get3A_917, %get3A_918, %get3A_919] {strides = array<i32>} : memref<25x8x128xi32, #tpu.memory_space<vmem>>, vector<16xi32>,
      tpu.vector_store_idx %arg5[%add3A_915], %get3A_920 : memref<25600xi32, #tpu.memory_space<vmem>>[vector<16xi32>], vector<16xi32>,
      %add3A_921 = arith.constant 48 : i32
      %add3A_922 = vector.broadcast %add3A_921 : i32 to vector<16xi32>
      %add3A_923 = arith.addi %iota3A, %add3A_922 : vector<16xi32>
      %mul3A_924 = arith.constant 200 : i32
      %mul3A_925 = vector.broadcast %mul3A_924 : i32 to vector<16xi32>
      %mul3A_926 = arith.muli %add3A_923, %mul3A_925 : vector<16xi32>
      %add3A_927 = arith.constant 7 : i32
      %add3A_928 = arith.addi %mul3A_36, %add3A_927 : i32
      %add3A_929 = vector.broadcast %add3A_928 : i32 to vector<16xi32>
      %add3A_930 = arith.addi %mul3A_926, %add3A_929 : vector<16xi32>
      %get3A_931 = arith.constant 7 : i32
      %get3A_932 = arith.index_cast %scan3A_34 : i32 to index
      %get3A_933 = arith.index_cast %get3A_931 : i32 to index
      %get3A_934 = arith.constant 48 : index
      %get3A_935 = tpu.vector_load %arg4[%get3A_932, %get3A_933, %get3A_934] {strides = array<i32>} : memref<25x8x128xi32, #tpu.memory_space<vmem>>, vector<16xi32>,
      tpu.vector_store_idx %arg5[%add3A_930], %get3A_935 : memref<25600xi32, #tpu.memory_space<vmem>>[vector<16xi32>], vector<16xi32>,
      %add3A_936 = arith.constant 64 : i32
      %add3A_937 = vector.broadcast %add3A_936 : i32 to vector<16xi32>
      %add3A_938 = arith.addi %iota3A, %add3A_937 : vector<16xi32>
      %mul3A_939 = arith.constant 200 : i32
      %mul3A_940 = vector.broadcast %mul3A_939 : i32 to vector<16xi32>
      %mul3A_941 = arith.muli %add3A_938, %mul3A_940 : vector<16xi32>
      %add3A_942 = arith.constant 7 : i32
      %add3A_943 = arith.addi %mul3A_36, %add3A_942 : i32
      %add3A_944 = vector.broadcast %add3A_943 : i32 to vector<16xi32>
      %add3A_945 = arith.addi %mul3A_941, %add3A_944 : vector<16xi32>
      %get3A_946 = arith.constant 7 : i32
      %get3A_947 = arith.index_cast %scan3A_34 : i32 to index
      %get3A_948 = arith.index_cast %get3A_946 : i32 to index
      %get3A_949 = arith.constant 64 : index
      %get3A_950 = tpu.vector_load %arg4[%get3A_947, %get3A_948, %get3A_949] {strides = array<i32>} : memref<25x8x128xi32, #tpu.memory_space<vmem>>, vector<16xi32>,
      tpu.vector_store_idx %arg5[%add3A_945], %get3A_950 : memref<25600xi32, #tpu.memory_space<vmem>>[vector<16xi32>], vector<16xi32>,
      %add3A_951 = arith.constant 80 : i32
      %add3A_952 = vector.broadcast %add3A_951 : i32 to vector<16xi32>
      %add3A_953 = arith.addi %iota3A, %add3A_952 : vector<16xi32>
      %mul3A_954 = arith.constant 200 : i32
      %mul3A_955 = vector.broadcast %mul3A_954 : i32 to vector<16xi32>
      %mul3A_956 = arith.muli %add3A_953, %mul3A_955 : vector<16xi32>
      %add3A_957 = arith.constant 7 : i32
      %add3A_958 = arith.addi %mul3A_36, %add3A_957 : i32
      %add3A_959 = vector.broadcast %add3A_958 : i32 to vector<16xi32>
      %add3A_960 = arith.addi %mul3A_956, %add3A_959 : vector<16xi32>
      %get3A_961 = arith.constant 7 : i32
      %get3A_962 = arith.index_cast %scan3A_34 : i32 to index
      %get3A_963 = arith.index_cast %get3A_961 : i32 to index
      %get3A_964 = arith.constant 80 : index
      %get3A_965 = tpu.vector_load %arg4[%get3A_962, %get3A_963, %get3A_964] {strides = array<i32>} : memref<25x8x128xi32, #tpu.memory_space<vmem>>, vector<16xi32>,
      tpu.vector_store_idx %arg5[%add3A_960], %get3A_965 : memref<25600xi32, #tpu.memory_space<vmem>>[vector<16xi32>], vector<16xi32>,
      %add3A_966 = arith.constant 96 : i32
      %add3A_967 = vector.broadcast %add3A_966 : i32 to vector<16xi32>
      %add3A_968 = arith.addi %iota3A, %add3A_967 : vector<16xi32>
      %mul3A_969 = arith.constant 200 : i32
      %mul3A_970 = vector.broadcast %mul3A_969 : i32 to vector<16xi32>
      %mul3A_971 = arith.muli %add3A_968, %mul3A_970 : vector<16xi32>
      %add3A_972 = arith.constant 7 : i32
      %add3A_973 = arith.addi %mul3A_36, %add3A_972 : i32
      %add3A_974 = vector.broadcast %add3A_973 : i32 to vector<16xi32>
      %add3A_975 = arith.addi %mul3A_971, %add3A_974 : vector<16xi32>
      %get3A_976 = arith.constant 7 : i32
      %get3A_977 = arith.index_cast %scan3A_34 : i32 to index
      %get3A_978 = arith.index_cast %get3A_976 : i32 to index
      %get3A_979 = arith.constant 96 : index
      %get3A_980 = tpu.vector_load %arg4[%get3A_977, %get3A_978, %get3A_979] {strides = array<i32>} : memref<25x8x128xi32, #tpu.memory_space<vmem>>, vector<16xi32>,
      tpu.vector_store_idx %arg5[%add3A_975], %get3A_980 : memref<25600xi32, #tpu.memory_space<vmem>>[vector<16xi32>], vector<16xi32>,
      %add3A_981 = arith.constant 112 : i32
      %add3A_982 = vector.broadcast %add3A_981 : i32 to vector<16xi32>
      %add3A_983 = arith.addi %iota3A, %add3A_982 : vector<16xi32>
      %mul3A_984 = arith.constant 200 : i32
      %mul3A_985 = vector.broadcast %mul3A_984 : i32 to vector<16xi32>
      %mul3A_986 = arith.muli %add3A_983, %mul3A_985 : vector<16xi32>
      %add3A_987 = arith.constant 7 : i32
      %add3A_988 = arith.addi %mul3A_36, %add3A_987 : i32
      %add3A_989 = vector.broadcast %add3A_988 : i32 to vector<16xi32>
      %add3A_990 = arith.addi %mul3A_986, %add3A_989 : vector<16xi32>
      %get3A_991 = arith.constant 7 : i32
      %get3A_992 = arith.index_cast %scan3A_34 : i32 to index
      %get3A_993 = arith.index_cast %get3A_991 : i32 to index
      %get3A_994 = arith.constant 112 : index
      %get3A_995 = tpu.vector_load %arg4[%get3A_992, %get3A_993, %get3A_994] {strides = array<i32>} : memref<25x8x128xi32, #tpu.memory_space<vmem>>, vector<16xi32>,
      tpu.vector_store_idx %arg5[%add3A_990], %get3A_995 : memref<25600xi32, #tpu.memory_space<vmem>>[vector<16xi32>], vector<16xi32>,
    }
    %scan3A_31 = arith.constant 25 : i32
    %mul3A_32 = arith.constant 200 : i32
    %mul3A_33 = arith.muli %mul3A_2, %mul3A_32 : i32
    "tpu.region"() ({
      %run_scoped3A_34 = tpu.sem_alloc : memref<!tpu.dma_semaphore, #tpu.memory_space<semaphore_mem>>
      %dma_start3A = tpu.memref_slice %arg3[%mul3A_33] : memref<819200xi32, #tpu.memory_space<hbm>> -> memref<25600xi32, #tpu.memory_space<hbm>>
      %dma_start3A_35 = tpu.memref_slice %arg3[%mul3A_33] : memref<819200xi32, #tpu.memory_space<hbm>> -> memref<25600xi32, #tpu.memory_space<hbm>>
      tpu.enqueue_dma source(%arg5 : memref<25600xi32, #tpu.memory_space<vmem>>) target(%dma_start3A_35 : memref<25600xi32, #tpu.memory_space<hbm>>) target_semaphore(%run_scoped3A_34 : memref<!tpu.dma_semaphore, #tpu.memory_space<semaphore_mem>>)
      %dma_wait3A = tpu.memref_slice %arg3[%mul3A_33] : memref<819200xi32, #tpu.memory_space<hbm>> -> memref<25600xi32, #tpu.memory_space<hbm>>
      %dma_wait3A_36 = tpu.memref_slice %arg3[%mul3A_33] : memref<819200xi32, #tpu.memory_space<hbm>> -> memref<25600xi32, #tpu.memory_space<hbm>>
      tpu.wait_dma2 semaphore(%run_scoped3A_34 : memref<!tpu.dma_semaphore, #tpu.memory_space<semaphore_mem>>) src(%arg5 : memref<25600xi32, #tpu.memory_space<vmem>>) dst(%dma_wait3A_36 : memref<25600xi32, #tpu.memory_space<hbm>>)
      tpu.yield
    }) : () -> ()
    return
  }
}

</mosaic_0001>

<sc_bundles>
// kernel: _sc_transpose.3.cloned.1.call-start
scs
__scs_entry_jumppad:
0x0: {  	(pc) =	sbr.rel $0x88, $3  }
0x1: {  	(tag) =	ssettag $0x0;
	lr =	simm.s32 $0x1  }
0x2: {  	[smem:$0x3FA0] =	sst lr;
	_ =	strace $0xD0000000  }
0x3: {  	_ = 	snop  }
0x4: {  	_ = 	snop  }
0x5: {  	_ = 	snop  }
0x6: {  	_ = 	snop  }
0x7: {  	_ = 	snop  }
__scs_overlays_trampoline_lowered:
0x8: {  	[smem:$0x3FAF] =	sst s0  }
0x9: {  	[smem:$0x3FB0] =	sst s1  }
0xa: {  	[smem:$0x3FB1] =	sst s2  }
0xb: {  	[smem:$0x3FB2] =	sst s3  }
0xc: {  	[smem:$0x3FB3] =	sst s4  }
0xd: {  	[smem:$0x3FB4] =	sst s5  }
0xe: {  	[smem:$0x3FB5] =	sst s6  }
0xf: {  	[smem:$0x3FB6] =	sst s7  }
0x10: {  	[smem:$0x3FB7] =	sst s8  }
0x11: {  	[smem:$0x3FB8] =	sst s9;
	s0 =	simm.s32 @!p0 $0x0  }
0x12: {  	s1 =	sld [smem:$0x3F9E];
	s0 =	simm.s32 @p0 $0x1  }
0x13: {  	[smem:$0x3FB9] =	sst s0;
	s0 =	simm.s32 @!p1 $0x0  }
0x14: {  	s2 =	sld [smem:$0x3F9D];
	s0 =	simm.s32 @p1 $0x1  }
0x15: {  	[smem:$0x3FBA] =	sst s0;
	s0 =	simm.s32 @!p2 $0x0  }
0x16: {  	s3 =	sld [smem:$0x3FDB];
	s0 =	simm.s32 @p2 $0x1  }
0x17: {  	s4 =	simm.s32 $0x1BF5;
	[smem:$0x3FBC] =	sst s0  }
0x18: {  	s0 =	sld [smem:$0x3F9F];
	_ =	swait.ge [sflag:s4], $0x0  }
0x19: {  	s7 =	sld [smem:$0x3FA0]  }
0x1a: {  	s8 =	sadd.s32 $0xFFFFE003, lr  }
0x1b: {  	s9 =	sadd.s32 $0xFFFFFEF7, lr;
	s5 =	simm.s32 $0xFFFFFFFF;
	p2 =	slt.u32 s8, $0xFFFFF086  }
0x1c: {  	p1 =	slt.u32 s9, $0xF7A;
	s5 =	simm.s32 @!p2 $0x0  }
0x1d: {  	s5 =	simm.s32 @p1 $0x1;
	p0 =	seq.s32 s7, s2  }
0x1e: {  	s7 =	smul.u32 @!p0 $0xF7A, s2;
	p2 =	seq.s32 @!p0 s5, $0x0  }
0x1f: {  	s9 =	smul.u32 $0xF7A, s1;
	s8 =	simm.s32 @!p0 $0x1BF5;
	p2 =	por !p2, p0  }
0x20: {  	[sflag:s8] =	ssyncset.s32 @!p0 $0xFFFFF086;
	s6 =	sadd.s32 @!p0 s3, s7;
	s7 =	simm.s32 @!p0 $0x108  }
0x21: {  	s3 =	sadd.s32 s3, s9;
	s6 =	sadd.s32 @!p0 $0x88, s6;
	s7 =	simm.s32 @p2 $0x1082  }
0x22: {  	[simem:s7], [sflag:s8] =	dma.local @!p0 [hbm:s6], $0xF7A  }
0x23: {  	s9 =	sor.u32 $0xD0000000, s2;
	s6 =	simm.s32 $0x108;
	_ =	swait.ge @!p0 [sflag:s8], $0x0  }
0x24: {  	s3 =	sadd.s32 $0x88, s3;
	s6 =	simm.s32 @!p1 $0x1082;
	[sflag:s4] =	ssyncset.s32 $0xFFFFF086  }
0x25: {  	[simem:s6], [sflag:s4] =	dma.local [hbm:s3], $0xF7A  }
0x26: {  	[smem:$0x3FA0] =	sst s1;
	(tag) =	ssettag s2;
	_ =	strace s9  }
0x27: {  	s1 =	sld [smem:$0x3FB0]  }
0x28: {  	s2 =	sld [smem:$0x3FB1]  }
0x29: {  	s4 =	sld [smem:$0x3FB3]  }
0x2a: {  	p0 =	seq.s32 s5, $0x0;
	s5 =	sld [smem:$0x3FB4]  }
0x2b: {  	s6 =	sld [smem:$0x3FB5]  }
0x2c: {  	s7 =	sld [smem:$0x3FB6]  }
0x2d: {  	s3 =	simm.s32 $0x108;
	s8 =	sld [smem:$0x3FB7]  }
0x2e: {  	s3 =	simm.s32 @!p0 $0x1082;
	s9 =	sld [smem:$0x3FB8]  }
0x2f: {  	lr =	sadd.s32 s0, s3;
	s0 =	sld [smem:$0x3FAF]  }
0x30: {  	s3 =	sld [smem:$0x3FB2]  }
0x31: {  	[smem:$0x3FBB] =	sst s10  }
0x32: {  	s10 =	sld [smem:$0x3FB9];
	_ =	sdelay $0x3  }
0x33: {  	p0 =	seq.s32 s10, $0x1;
	s10 =	sld [smem:$0x3FBB];
	_ =	sdelay $0x3  }
0x34: {  	[smem:$0x3FBB] =	sst s10  }
0x35: {  	s10 =	sld [smem:$0x3FBA];
	_ =	sdelay $0x3  }
0x36: {  	p1 =	seq.s32 s10, $0x1;
	s10 =	sld [smem:$0x3FBB];
	_ =	sdelay $0x3  }
0x37: {  	[smem:$0x3FBB] =	sst s10  }
0x38: {  	s10 =	sld [smem:$0x3FBC]  }
0x39: {  	_ = 	snop;
	(pc) =	sbr.ind lr, $3  }
0x3a: {  	_ = 	snop  }
0x3b: {  	_ = 	snop  }
0x3c: {  	p2 =	seq.s32 s10, $0x1;
	s10 =	sld [smem:$0x3FBB]  }
0x3d: {  	_ =	shalt  }
0x3e: {  	_ =	shalt  }
0x3f: {  	_ =	shalt  }
0x40: {  	_ =	shalt  }
0x41: {  	_ =	shalt  }
0x42: {  	_ =	shalt  }
0x43: {  	_ =	shalt  }
0x44: {  	_ =	shalt  }
0x45: {  	_ =	shalt  }
0x46: {  	_ =	shalt  }
0x47: {  	_ =	shalt  }
0x48: {  	_ =	shalt  }
0x49: {  	_ =	shalt  }
0x4a: {  	_ =	shalt  }
0x4b: {  	_ =	shalt  }
0x4c: {  	_ =	shalt  }
0x4d: {  	_ =	shalt  }
0x4e: {  	_ =	shalt  }
0x4f: {  	_ =	shalt  }
0x50: {  	_ =	shalt  }
0x51: {  	_ =	shalt  }
0x52: {  	_ =	shalt  }
0x53: {  	_ =	shalt  }
0x54: {  	_ =	shalt  }
0x55: {  	_ =	shalt  }
0x56: {  	_ =	shalt  }
0x57: {  	_ =	shalt  }
0x58: {  	_ =	shalt  }
0x59: {  	_ =	shalt  }
0x5a: {  	_ =	shalt  }
0x5b: {  	_ =	shalt  }
0x5c: {  	_ =	shalt  }
0x5d: {  	_ =	shalt  }
0x5e: {  	_ =	shalt  }
0x5f: {  	_ =	shalt  }
0x60: {  	_ =	shalt  }
0x61: {  	_ =	shalt  }
0x62: {  	_ =	shalt  }
0x63: {  	_ =	shalt  }
0x64: {  	_ =	shalt  }
0x65: {  	_ =	shalt  }
0x66: {  	_ =	shalt  }
0x67: {  	_ =	shalt  }
0x68: {  	_ =	shalt  }
0x69: {  	_ =	shalt  }
0x6a: {  	_ =	shalt  }
0x6b: {  	_ =	shalt  }
0x6c: {  	_ =	shalt  }
0x6d: {  	_ =	shalt  }
0x6e: {  	_ =	shalt  }
0x6f: {  	_ =	shalt  }
0x70: {  	_ =	shalt  }
0x71: {  	_ =	shalt  }
0x72: {  	_ =	shalt  }
0x73: {  	_ =	shalt  }
0x74: {  	_ =	shalt  }
0x75: {  	_ =	shalt  }
0x76: {  	_ =	shalt  }
0x77: {  	_ =	shalt  }
0x78: {  	_ =	shalt  }
0x79: {  	_ =	shalt  }
0x7a: {  	_ =	shalt  }
0x7b: {  	_ =	shalt  }
0x7c: {  	_ =	shalt  }
0x7d: {  	_ =	shalt  }
0x7e: {  	_ =	shalt  }
0x7f: {  	_ =	shalt  }
0x80: {  	_ =	shalt  }
0x81: {  	_ =	shalt  }
0x82: {  	_ =	shalt  }
0x83: {  	_ =	shalt  }
0x84: {  	_ =	shalt  }
0x85: {  	_ =	shalt  }
0x86: {  	_ =	shalt  }
0x87: {  	_ =	shalt  }
.Lfunc_end0:
.L_simem_size_0:
called_computation_lowered:
.L_overlay_start_0:
0x88: {  	s2 =	sld [smem:$0x3FD9]  }
0x89: {  	s3 =	sld [smem:$0x3FFE];
	_ =	sdelay $0x1  }
0x8a: {  	s1 =	srdreg.scid  }
0x8b: {  	s0 =	sand.u32 $0x1, s1  }
0x8c: {  	s18 =	sshll.u32 s0, $0xA;
	s2 =	sadd.s32 s3, s2  }
0x8d: {  	s2 =	sadd.s32 s2, s18  }
0x8e: {  	[smem:$0x3FC7] =	sst s2  }
0x8f: {  	_ = 	snop  }
0x90: {  	s2 =	sld [smem:$0x3FC9]  }
0x91: {  	s19 =	sld [smem:$0x3FD0];
	(tm) =	ssettm $0x1  }
0x92: {  	s4 =	sld [smem:$0x3FFB];
	_ =	sdelay $0x3  }
0x93: {  	_ =	strace s4  }
0x94: {  	s4 =	sld [smem:$0x3FFC];
	_ =	sdelay $0x3  }
0x95: {  	_ =	strace s4  }
0x96: {  	s4 =	sld [smem:$0x3FFD];
	_ =	sdelay $0x3  }
0x97: {  	_ =	strace s4  }
0x98: {  	_ =	strace $0x8FFFFFFF  }
0x99: {  	s20 =	sld [smem:$0x3FDB];
	_ =	sdelay $0x1  }
0x9a: {  	s5 =	simm.s32 $_scs_section_size  }
0x9b: {  	s6 =	simm.s32 $_size__tile_overlayer_lowered;
	s7 =	simm.s32 $_tile_overlayer_lowered  }
0x9c: {  	s23 =	simm.s32 $0x1BFF;
	s22 =	sshll.u32 s7, $0x1;
	s4 =	sadd.s32 s5, s20  }
0x9d: {  	s8 =	simm.s32 $0x0;
	s21 =	sshll.u32 s6, $0x1;
	s6 =	sadd.s32 s22, s4  }
0x9e: {  	[timem:s8], [sflag:s23] =	dma.local [hbm:s6], s21  }
0x9f: {  	_ =	swait.ge [sflag:s23], s21  }
0xa0: {  	s5 =	ssub.s32 $0x0, s21;
	[sflag:s23] =	ssyncset.done $0x0  }
0xa1: {  	[sflag:s23] =	ssyncadd.s32 s5;
	_ =	sdelay $0x1  }
0xa2: {  	s24 =	simm.s32 $0x1B8B  }
0xa3: {  	_ =	swait.ge [sflag:s24], $0x1  }
0xa4: {  	[sflag:s24] =	ssyncset.done $0x0  }
0xa5: {  	s25 =	simm.s32 $0x1B8E;
	[sflag:s24] =	ssyncadd.s32 $0xFFFFFFFF  }
0xa6: {  	s26 =	simm.s32 $execute0_lowered;
	[smem:$0x3FD2] =	sst s25  }
0xa7: {  	s5 =	sshll.u32 s26, $0x1;
	_ =	strace $0x80000046;
	[dreg:$0x1] =	wrdreg $0xFFFFFFFF  }
0xa8: {  	s28 =	simm.s32 $_size_execute0_lowered;
	s4 =	sadd.s32 s4, s5;
	[dreg:$0x0] =	wrdreg $0x0  }
0xa9: {  	s5 =	sshll.u32 s28, $0x1;
	[dreg:$0x2] =	wrdreg s4  }
0xaa: {  	[dreg:$0x3] =	wrdreg s5  }
0xab: {  	[dreg:$0x4] =	wrdreg $0xC0  }
0xac: {  	_ =	task [dreg:s8], $0x5FFFF  }
0xad: {  	[dreg:$0x1] =	wrdreg $0xFFFFFFFF  }
0xae: {  	[dreg:$0x0] =	wrdreg $0x60  }
0xaf: {  	[dreg:$0x2] =	wrdreg s2  }
0xb0: {  	[dreg:$0x3] =	wrdreg s19  }
0xb1: {  	[dreg:$0x4] =	wrdreg $0x9  }
0xb2: {  	_ =	task.clear_ibuf [dreg:s8], $0x5FFFF;
	_ =	strace $0x90000046  }
0xb3: {  	s29 =	simm.s32 $0x9;
	_ =	strace $0x80000048  }
0xb4: {  	_ =	swait.ge [sflag:s29], $0x1  }
0xb5: {  	[sflag:s29] =	ssyncadd.s32 $0xFFFFFFFF  }
0xb6: {  	_ =	strace $0x90000048  }
0xb7: {  	_ =	sfence  }
0xb8: {  	s30 =	sld [smem:$0x0];
	_ =	sdelay $0x2  }
0xb9: {  	s31 =	sshll.u32 s1, $0xD;
	s1 =	sshrl.u32 s1, $0x2  }
0xba: {  	s3 =	sand.u32 $0x4000, s31;
	s1 =	sadd.s32 s1, s30  }
0xbb: {  	s0 =	sor.u32 s3, s0;
	s1 =	sshll.u32 s1, $0x11  }
0xbc: {  	s0 =	sor.u32 s1, s0  }
0xbd: {  	s0 =	sadd.s32 $0x8F2B, s0  }
0xbe: {  	[sflag:s0] =	ssyncadd.remote.s32 $0x1  }
0xbf: {  	_ =	sfence.sel $0xFFFF  }
0xc0: {  	[dreg:$0x0] =	wrdreg $0xFFFFFFFF;
	(pc) =	sbr.abs _section_cstart, $3  }
0xc1: {  	[dreg:$0x1] =	wrdreg $0xFFFFFFFF  }
0xc2: {  	_ =	task.clear_ibuf [dreg:s8], $0x2FFFF;
	_ =	strace $0x9FFFFFFF  }
0xc3: {  	(tm) =	ssettm $0x7FFFFFFF  }
tec
execute0_lowered:
.L_overlay_start_1:
0x0: {  	(tag) =	ssettag $0x1  }
0x1: {  	s0 =	rddreg [dreg:$0x0]  }
0x2: {  	s1 =	rddreg [dreg:$0x1]  }
0x3: {  	s2 =	srdreg.scid;
	s4 =	stileid.u32  }
0x4: {  	s31 =	simm.s32 $0x1;
	s3 =	sand.u32 $0x1, s2;
	s4 =	sshll.u32 s4, $0x1  }
0x5: {  	s2 =	simm.s32 $0x0;
	s5 =	ssub.s32 $0x2, s3;
	s4 =	sor.u32 s3, s4  }
0x6: {  	[smem:$0x7FF] =	sst s2;
	s22 =	sshrl.u32 s5, $0x1;
	s6 =	sshll.u32 s4, $0x7  }
0x7: {  	_ =	strace $0x80000047;
	s26 =	smul.u32 $0xC80, s4;
	s3 =	sadd.s32 s0, s6  }
0x8: {  	s5 =	ssub.s32 s5, s22;
	s0 =	sadd.s32 $0x1000, s3;
	s23 =	sadd.s32 $0x2000, s3  }
0x9: {  	s24 =	sadd.s32 $0x3000, s3;
	s25 =	sadd.s32 $0x4000, s3;
	s8 =	sadd.s32 $0x5000, s3  }
0xa: {  	s9 =	sadd.s32 $0x6000, s3;
	s10 =	sadd.s32 $0x7000, s3;
	s11 =	sadd.s32 $0x8000, s3  }
0xb: {  	s12 =	sadd.s32 $0x9000, s3;
	s13 =	sadd.s32 $0xA000, s3;
	s14 =	sadd.s32 $0xB000, s3  }
0xc: {  	s15 =	sadd.s32 $0xC000, s3;
	s16 =	sadd.s32 $0xD000, s3;
	s17 =	sadd.s32 $0xE000, s3  }
0xd: {  	v0 =	vlaneseq.u32;
	s18 =	sadd.s32 $0xF000, s3;
	s19 =	sadd.s32 $0x10000, s3;
	[dreg:$0x3] =	wrdreg s0  }
0xe: {  	v0 =	vmul.u32 $0xC8, v0;
	s20 =	sadd.s32 $0x11000, s3;
	s21 =	sadd.s32 $0x12000, s3;
	[dreg:$0x4] =	wrdreg s23  }
0xf: {  	s22 =	sadd.s32 $0x13000, s3;
	s28 =	sadd.s32 $0x16000, s3;
	[dreg:$0x5] =	wrdreg s24  }
0x10: {  	v1 =	vadd.s32 $0xC80, v0;
	s29 =	sadd.s32 $0x17000, s3;
	s30 =	sadd.s32 $0x18000, s3;
	[dreg:$0x6] =	wrdreg s25  }
0x11: {  	v2 =	vadd.s32 $0x1900, v0;
	v3 =	vadd.s32 $0x2580, v0;
	v4 =	vadd.s32 $0x3200, v0;
	s23 =	sadd.s32 s1, s26;
	s24 =	sadd.s32 $0x14000, s3;
	s25 =	smax.u32 s5, $0x1  }
0x12: {  	v5 =	vadd.s32 $0x3E80, v0;
	v6 =	vadd.s32 $0x4B00, v0;
	v7 =	vadd.s32 $0x5780, v0;
	s26 =	sadd.s32 $0x15000, s3;
	s0 =	simm.s32 $0x6400;
	s1 =	simm.s32 $0x0  }
.LBB2_1:
0x13: {  	[tilespmem:s2], [sflag:$0x1] =	stream.linear.gather [hbm4b:s3+s2], $0x400, $0x38;
	[tilespmem:$0xC800] =	vst v63  }
0x14: {  	_ =	swait.ge [sflag:s31], $0x400  }
0x15: {  	[sflag:s31] =	ssyncset.done $0x0  }
0x16: {  	s5 =	simm.s32 $0x400;
	s4 =	rddreg [dreg:$0x3];
	[sflag:s31] =	ssyncadd.s32 $0xFFFFFC00  }
0x17: {  	[tilespmem:s5], [sflag:$0x1] =	stream.linear.gather [hbm4b:s4+s2], $0x400, $0x38;
	[tilespmem:$0xC800] =	vst v63  }
0x18: {  	_ =	swait.ge [sflag:s31], $0x400  }
0x19: {  	[sflag:s31] =	ssyncset.done $0x0  }
0x1a: {  	s7 =	simm.s32 $0x800;
	s6 =	rddreg [dreg:$0x4];
	[sflag:s31] =	ssyncadd.s32 $0xFFFFFC00  }
0x1b: {  	[tilespmem:s7], [sflag:$0x1] =	stream.linear.gather [hbm4b:s6+s2], $0x400, $0x38;
	[tilespmem:$0xC800] =	vst v63  }
0x1c: {  	_ =	swait.ge [sflag:s31], $0x400  }
0x1d: {  	[sflag:s31] =	ssyncset.done $0x0  }
0x1e: {  	s7 =	simm.s32 $0xC00;
	s6 =	rddreg [dreg:$0x5];
	[sflag:s31] =	ssyncadd.s32 $0xFFFFFC00  }
0x1f: {  	[tilespmem:s7], [sflag:$0x1] =	stream.linear.gather [hbm4b:s6+s2], $0x400, $0x38;
	[tilespmem:$0xC800] =	vst v63  }
0x20: {  	_ =	swait.ge [sflag:s31], $0x400  }
0x21: {  	[sflag:s31] =	ssyncset.done $0x0  }
0x22: {  	s7 =	simm.s32 $0x1000;
	s6 =	rddreg [dreg:$0x6];
	[sflag:s31] =	ssyncadd.s32 $0xFFFFFC00  }
0x23: {  	[tilespmem:s7], [sflag:$0x1] =	stream.linear.gather [hbm4b:s6+s2], $0x400, $0x38;
	[tilespmem:$0xC800] =	vst v63  }
0x24: {  	_ =	swait.ge [sflag:s31], $0x400  }
0x25: {  	[sflag:s31] =	ssyncset.done $0x0  }
0x26: {  	s6 =	simm.s32 $0x1400;
	[sflag:s31] =	ssyncadd.s32 $0xFFFFFC00  }
0x27: {  	[tilespmem:s6], [sflag:$0x1] =	stream.linear.gather [hbm4b:s8+s2], $0x400, $0x38;
	[tilespmem:$0xC800] =	vst v63  }
0x28: {  	_ =	swait.ge [sflag:s31], $0x400  }
0x29: {  	[sflag:s31] =	ssyncset.done $0x0  }
0x2a: {  	s7 =	simm.s32 $0x1800;
	[sflag:s31] =	ssyncadd.s32 $0xFFFFFC00  }
0x2b: {  	[tilespmem:s7], [sflag:$0x1] =	stream.linear.gather [hbm4b:s9+s2], $0x400, $0x38;
	[tilespmem:$0xC800] =	vst v63  }
0x2c: {  	_ =	swait.ge [sflag:s31], $0x400  }
0x2d: {  	[sflag:s31] =	ssyncset.done $0x0  }
0x2e: {  	s5 =	simm.s32 $0x1C00;
	[sflag:s31] =	ssyncadd.s32 $0xFFFFFC00  }
0x2f: {  	[tilespmem:s5], [sflag:$0x1] =	stream.linear.gather [hbm4b:s10+s2], $0x400, $0x38;
	[tilespmem:$0xC800] =	vst v63  }
0x30: {  	_ =	swait.ge [sflag:s31], $0x400  }
0x31: {  	[sflag:s31] =	ssyncset.done $0x0  }
0x32: {  	s6 =	simm.s32 $0x2000;
	[sflag:s31] =	ssyncadd.s32 $0xFFFFFC00  }
0x33: {  	[tilespmem:s6], [sflag:$0x1] =	stream.linear.gather [hbm4b:s11+s2], $0x400, $0x38;
	[tilespmem:$0xC800] =	vst v63  }
0x34: {  	_ =	swait.ge [sflag:s31], $0x400  }
0x35: {  	[sflag:s31] =	ssyncset.done $0x0  }
0x36: {  	s7 =	simm.s32 $0x2400;
	[sflag:s31] =	ssyncadd.s32 $0xFFFFFC00  }
0x37: {  	[tilespmem:s7], [sflag:$0x1] =	stream.linear.gather [hbm4b:s12+s2], $0x400, $0x38;
	[tilespmem:$0xC800] =	vst v63  }
0x38: {  	_ =	swait.ge [sflag:s31], $0x400  }
0x39: {  	[sflag:s31] =	ssyncset.done $0x0  }
0x3a: {  	s5 =	simm.s32 $0x2800;
	[sflag:s31] =	ssyncadd.s32 $0xFFFFFC00  }
0x3b: {  	[tilespmem:s5], [sflag:$0x1] =	stream.linear.gather [hbm4b:s13+s2], $0x400, $0x38;
	[tilespmem:$0xC800] =	vst v63  }
0x3c: {  	_ =	swait.ge [sflag:s31], $0x400  }
0x3d: {  	[sflag:s31] =	ssyncset.done $0x0  }
0x3e: {  	s6 =	simm.s32 $0x2C00;
	[sflag:s31] =	ssyncadd.s32 $0xFFFFFC00  }
0x3f: {  	[tilespmem:s6], [sflag:$0x1] =	stream.linear.gather [hbm4b:s14+s2], $0x400, $0x38;
	[tilespmem:$0xC800] =	vst v63  }
0x40: {  	_ =	swait.ge [sflag:s31], $0x400  }
0x41: {  	[sflag:s31] =	ssyncset.done $0x0  }
0x42: {  	s7 =	simm.s32 $0x3000;
	[sflag:s31] =	ssyncadd.s32 $0xFFFFFC00  }
0x43: {  	[tilespmem:s7], [sflag:$0x1] =	stream.linear.gather [hbm4b:s15+s2], $0x400, $0x38;
	[tilespmem:$0xC800] =	vst v63  }
0x44: {  	_ =	swait.ge [sflag:s31], $0x400  }
0x45: {  	[sflag:s31] =	ssyncset.done $0x0  }
0x46: {  	s5 =	simm.s32 $0x3400;
	[sflag:s31] =	ssyncadd.s32 $0xFFFFFC00  }
0x47: {  	[tilespmem:s5], [sflag:$0x1] =	stream.linear.gather [hbm4b:s16+s2], $0x400, $0x38;
	[tilespmem:$0xC800] =	vst v63  }
0x48: {  	_ =	swait.ge [sflag:s31], $0x400  }
0x49: {  	[sflag:s31] =	ssyncset.done $0x0  }
0x4a: {  	s6 =	simm.s32 $0x3800;
	[sflag:s31] =	ssyncadd.s32 $0xFFFFFC00  }
0x4b: {  	[tilespmem:s6], [sflag:$0x1] =	stream.linear.gather [hbm4b:s17+s2], $0x400, $0x38;
	[tilespmem:$0xC800] =	vst v63  }
0x4c: {  	_ =	swait.ge [sflag:s31], $0x400  }
0x4d: {  	[sflag:s31] =	ssyncset.done $0x0  }
0x4e: {  	s7 =	simm.s32 $0x3C00;
	[sflag:s31] =	ssyncadd.s32 $0xFFFFFC00  }
0x4f: {  	[tilespmem:s7], [sflag:$0x1] =	stream.linear.gather [hbm4b:s18+s2], $0x400, $0x38;
	[tilespmem:$0xC800] =	vst v63  }
0x50: {  	_ =	swait.ge [sflag:s31], $0x400  }
0x51: {  	[sflag:s31] =	ssyncset.done $0x0  }
0x52: {  	s5 =	simm.s32 $0x4000;
	[sflag:s31] =	ssyncadd.s32 $0xFFFFFC00  }
0x53: {  	[tilespmem:s5], [sflag:$0x1] =	stream.linear.gather [hbm4b:s19+s2], $0x400, $0x38;
	[tilespmem:$0xC800] =	vst v63  }
0x54: {  	_ =	swait.ge [sflag:s31], $0x400  }
0x55: {  	[sflag:s31] =	ssyncset.done $0x0  }
0x56: {  	s6 =	simm.s32 $0x4400;
	[sflag:s31] =	ssyncadd.s32 $0xFFFFFC00  }
0x57: {  	[tilespmem:s6], [sflag:$0x1] =	stream.linear.gather [hbm4b:s20+s2], $0x400, $0x38;
	[tilespmem:$0xC800] =	vst v63  }
0x58: {  	_ =	swait.ge [sflag:s31], $0x400  }
0x59: {  	[sflag:s31] =	ssyncset.done $0x0  }
0x5a: {  	s7 =	simm.s32 $0x4800;
	[sflag:s31] =	ssyncadd.s32 $0xFFFFFC00  }
0x5b: {  	[tilespmem:s7], [sflag:$0x1] =	stream.linear.gather [hbm4b:s21+s2], $0x400, $0x38;
	[tilespmem:$0xC800] =	vst v63  }
0x5c: {  	_ =	swait.ge [sflag:s31], $0x400  }
0x5d: {  	[sflag:s31] =	ssyncset.done $0x0  }
0x5e: {  	s5 =	simm.s32 $0x4C00;
	[sflag:s31] =	ssyncadd.s32 $0xFFFFFC00  }
0x5f: {  	[tilespmem:s5], [sflag:$0x1] =	stream.linear.gather [hbm4b:s22+s2], $0x400, $0x38;
	[tilespmem:$0xC800] =	vst v63  }
0x60: {  	_ =	swait.ge [sflag:s31], $0x400  }
0x61: {  	[sflag:s31] =	ssyncset.done $0x0  }
0x62: {  	s6 =	simm.s32 $0x5000;
	[sflag:s31] =	ssyncadd.s32 $0xFFFFFC00  }
0x63: {  	[tilespmem:s6], [sflag:$0x1] =	stream.linear.gather [hbm4b:s24+s2], $0x400, $0x38;
	[tilespmem:$0xC800] =	vst v63  }
0x64: {  	_ =	swait.ge [sflag:s31], $0x400  }
0x65: {  	[sflag:s31] =	ssyncset.done $0x0  }
0x66: {  	s7 =	simm.s32 $0x5400;
	[sflag:s31] =	ssyncadd.s32 $0xFFFFFC00  }
0x67: {  	[tilespmem:s7], [sflag:$0x1] =	stream.linear.gather [hbm4b:s26+s2], $0x400, $0x38;
	[tilespmem:$0xC800] =	vst v63  }
0x68: {  	_ =	swait.ge [sflag:s31], $0x400  }
0x69: {  	[sflag:s31] =	ssyncset.done $0x0  }
0x6a: {  	s5 =	simm.s32 $0x5800;
	[sflag:s31] =	ssyncadd.s32 $0xFFFFFC00  }
0x6b: {  	[tilespmem:s5], [sflag:$0x1] =	stream.linear.gather [hbm4b:s28+s2], $0x400, $0x38;
	[tilespmem:$0xC800] =	vst v63  }
0x6c: {  	_ =	swait.ge [sflag:s31], $0x400  }
0x6d: {  	[sflag:s31] =	ssyncset.done $0x0  }
0x6e: {  	s6 =	simm.s32 $0x5C00;
	[sflag:s31] =	ssyncadd.s32 $0xFFFFFC00  }
0x6f: {  	[tilespmem:s6], [sflag:$0x1] =	stream.linear.gather [hbm4b:s29+s2], $0x400, $0x38;
	[tilespmem:$0xC800] =	vst v63  }
0x70: {  	_ =	swait.ge [sflag:s31], $0x400  }
0x71: {  	[sflag:s31] =	ssyncset.done $0x0  }
0x72: {  	s7 =	simm.s32 $0x6000;
	[sflag:s31] =	ssyncadd.s32 $0xFFFFFC00  }
0x73: {  	[tilespmem:s7], [sflag:$0x1] =	stream.linear.gather [hbm4b:s30+s2], $0x400, $0x38;
	[tilespmem:$0xC800] =	vst v63  }
0x74: {  	_ =	swait.ge [sflag:s31], $0x400  }
0x75: {  	s4 =	simm.s32 $0x200;
	s5 =	simm.s32 $0x7;
	[sflag:s31] =	ssyncset.done $0x0  }
0x76: {  	s6 =	simm.s32 $0xF;
	s7 =	simm.s32 $0x0;
	[sflag:s31] =	ssyncadd.s32 $0xFFFFFC00  }
.LBB2_2:
0x77: {  	p0 =	sne.s32 s6, $0xC7;
	v8 =	vadd.s32 s7, v0;
	v9 =	vld [tilespmem:s4+$0xFFFFFE00];
	_ =	sdelay $0x4  }
0x78: {  	[tilespmem:v8+s0+$0x0] =	vst.idx.msk $0xffff, v9  }
0x79: {  	v8 =	vadd.s32 s7, v1;
	v9 =	vld [tilespmem:s4+$0xFFFFFE10];
	_ =	sdelay $0x4  }
0x7a: {  	[tilespmem:v8+s0+$0x0] =	vst.idx.msk $0xffff, v9  }
0x7b: {  	v8 =	vadd.s32 s7, v2;
	v9 =	vld [tilespmem:s4+$0xFFFFFE20];
	_ =	sdelay $0x4  }
0x7c: {  	[tilespmem:v8+s0+$0x0] =	vst.idx.msk $0xffff, v9  }
0x7d: {  	v8 =	vadd.s32 s7, v3;
	v9 =	vld [tilespmem:s4+$0xFFFFFE30];
	_ =	sdelay $0x4  }
0x7e: {  	[tilespmem:v8+s0+$0x0] =	vst.idx.msk $0xffff, v9  }
0x7f: {  	v8 =	vadd.s32 s7, v4;
	v9 =	vld [tilespmem:s4+$0xFFFFFE40];
	_ =	sdelay $0x4  }
0x80: {  	[tilespmem:v8+s0+$0x0] =	vst.idx.msk $0xffff, v9  }
0x81: {  	v8 =	vadd.s32 s7, v5;
	v9 =	vld [tilespmem:s4+$0xFFFFFE50];
	_ =	sdelay $0x4  }
0x82: {  	[tilespmem:v8+s0+$0x0] =	vst.idx.msk $0xffff, v9  }
0x83: {  	v8 =	vadd.s32 s7, v6;
	v9 =	vld [tilespmem:s4+$0xFFFFFE60];
	_ =	sdelay $0x4  }
0x84: {  	[tilespmem:v8+s0+$0x0] =	vst.idx.msk $0xffff, v9  }
0x85: {  	v8 =	vadd.s32 s7, v7;
	v9 =	vld [tilespmem:s4+$0xFFFFFE70];
	_ =	sdelay $0x4  }
0x86: {  	s7 =	sadd.s32 $0xFFFFFFFA, s5;
	[tilespmem:v8+s0+$0x0] =	vst.idx.msk $0xffff, v9  }
0x87: {  	v8 =	vadd.s32 s7, v0;
	v9 =	vld [tilespmem:s4+$0xFFFFFE80];
	_ =	sdelay $0x4  }
0x88: {  	[tilespmem:v8+s0+$0x0] =	vst.idx.msk $0xffff, v9  }
0x89: {  	v8 =	vadd.s32 s7, v1;
	v9 =	vld [tilespmem:s4+$0xFFFFFE90];
	_ =	sdelay $0x4  }
0x8a: {  	[tilespmem:v8+s0+$0x0] =	vst.idx.msk $0xffff, v9  }
0x8b: {  	v8 =	vadd.s32 s7, v2;
	v9 =	vld [tilespmem:s4+$0xFFFFFEA0];
	_ =	sdelay $0x4  }
0x8c: {  	[tilespmem:v8+s0+$0x0] =	vst.idx.msk $0xffff, v9  }
0x8d: {  	v8 =	vadd.s32 s7, v3;
	v9 =	vld [tilespmem:s4+$0xFFFFFEB0];
	_ =	sdelay $0x4  }
0x8e: {  	[tilespmem:v8+s0+$0x0] =	vst.idx.msk $0xffff, v9  }
0x8f: {  	v8 =	vadd.s32 s7, v4;
	v9 =	vld [tilespmem:s4+$0xFFFFFEC0];
	_ =	sdelay $0x4  }
0x90: {  	[tilespmem:v8+s0+$0x0] =	vst.idx.msk $0xffff, v9  }
0x91: {  	v8 =	vadd.s32 s7, v5;
	v9 =	vld [tilespmem:s4+$0xFFFFFED0];
	_ =	sdelay $0x4  }
0x92: {  	[tilespmem:v8+s0+$0x0] =	vst.idx.msk $0xffff, v9  }
0x93: {  	v8 =	vadd.s32 s7, v6;
	v9 =	vld [tilespmem:s4+$0xFFFFFEE0];
	_ =	sdelay $0x4  }
0x94: {  	[tilespmem:v8+s0+$0x0] =	vst.idx.msk $0xffff, v9  }
0x95: {  	v8 =	vadd.s32 s7, v7;
	v9 =	vld [tilespmem:s4+$0xFFFFFEF0];
	_ =	sdelay $0x4  }
0x96: {  	s7 =	sadd.s32 $0xFFFFFFFB, s5;
	[tilespmem:v8+s0+$0x0] =	vst.idx.msk $0xffff, v9  }
0x97: {  	v8 =	vadd.s32 s7, v0;
	v9 =	vld [tilespmem:s4+$0xFFFFFF00];
	_ =	sdelay $0x4  }
0x98: {  	[tilespmem:v8+s0+$0x0] =	vst.idx.msk $0xffff, v9  }
0x99: {  	v8 =	vadd.s32 s7, v1;
	v9 =	vld [tilespmem:s4+$0xFFFFFF10];
	_ =	sdelay $0x4  }
0x9a: {  	[tilespmem:v8+s0+$0x0] =	vst.idx.msk $0xffff, v9  }
0x9b: {  	v8 =	vadd.s32 s7, v2;
	v9 =	vld [tilespmem:s4+$0xFFFFFF20];
	_ =	sdelay $0x4  }
0x9c: {  	[tilespmem:v8+s0+$0x0] =	vst.idx.msk $0xffff, v9  }
0x9d: {  	v8 =	vadd.s32 s7, v3;
	v9 =	vld [tilespmem:s4+$0xFFFFFF30];
	_ =	sdelay $0x4  }
0x9e: {  	[tilespmem:v8+s0+$0x0] =	vst.idx.msk $0xffff, v9  }
0x9f: {  	v8 =	vadd.s32 s7, v4;
	v9 =	vld [tilespmem:s4+$0xFFFFFF40];
	_ =	sdelay $0x4  }
0xa0: {  	[tilespmem:v8+s0+$0x0] =	vst.idx.msk $0xffff, v9  }
0xa1: {  	v8 =	vadd.s32 s7, v5;
	v9 =	vld [tilespmem:s4+$0xFFFFFF50];
	_ =	sdelay $0x4  }
0xa2: {  	[tilespmem:v8+s0+$0x0] =	vst.idx.msk $0xffff, v9  }
0xa3: {  	v8 =	vadd.s32 s7, v6;
	v9 =	vld [tilespmem:s4+$0xFFFFFF60];
	_ =	sdelay $0x4  }
0xa4: {  	[tilespmem:v8+s0+$0x0] =	vst.idx.msk $0xffff, v9  }
0xa5: {  	v8 =	vadd.s32 s7, v7;
	v9 =	vld [tilespmem:s4+$0xFFFFFF70];
	_ =	sdelay $0x4  }
0xa6: {  	s7 =	sadd.s32 $0xFFFFFFFC, s5;
	[tilespmem:v8+s0+$0x0] =	vst.idx.msk $0xffff, v9  }
0xa7: {  	v8 =	vadd.s32 s7, v0;
	v9 =	vld [tilespmem:s4+$0xFFFFFF80];
	_ =	sdelay $0x4  }
0xa8: {  	[tilespmem:v8+s0+$0x0] =	vst.idx.msk $0xffff, v9  }
0xa9: {  	v8 =	vadd.s32 s7, v1;
	v9 =	vld [tilespmem:s4+$0xFFFFFF90];
	_ =	sdelay $0x4  }
0xaa: {  	[tilespmem:v8+s0+$0x0] =	vst.idx.msk $0xffff, v9  }
0xab: {  	v8 =	vadd.s32 s7, v2;
	v9 =	vld [tilespmem:s4+$0xFFFFFFA0];
	_ =	sdelay $0x4  }
0xac: {  	[tilespmem:v8+s0+$0x0] =	vst.idx.msk $0xffff, v9  }
0xad: {  	v8 =	vadd.s32 s7, v3;
	v9 =	vld [tilespmem:s4+$0xFFFFFFB0];
	_ =	sdelay $0x4  }
0xae: {  	[tilespmem:v8+s0+$0x0] =	vst.idx.msk $0xffff, v9  }
0xaf: {  	v8 =	vadd.s32 s7, v4;
	v9 =	vld [tilespmem:s4+$0xFFFFFFC0];
	_ =	sdelay $0x4  }
0xb0: {  	[tilespmem:v8+s0+$0x0] =	vst.idx.msk $0xffff, v9  }
0xb1: {  	v8 =	vadd.s32 s7, v5;
	v9 =	vld [tilespmem:s4+$0xFFFFFFD0];
	_ =	sdelay $0x4  }
0xb2: {  	[tilespmem:v8+s0+$0x0] =	vst.idx.msk $0xffff, v9  }
0xb3: {  	v8 =	vadd.s32 s7, v6;
	v9 =	vld [tilespmem:s4+$0xFFFFFFE0];
	_ =	sdelay $0x4  }
0xb4: {  	[tilespmem:v8+s0+$0x0] =	vst.idx.msk $0xffff, v9  }
0xb5: {  	v8 =	vadd.s32 s7, v7;
	v9 =	vld [tilespmem:s4+$0xFFFFFFF0];
	_ =	sdelay $0x4  }
0xb6: {  	s7 =	sadd.s32 $0xFFFFFFFD, s5;
	[tilespmem:v8+s0+$0x0] =	vst.idx.msk $0xffff, v9  }
0xb7: {  	v8 =	vadd.s32 s7, v0;
	v9 =	vld [tilespmem:s4+$0x0];
	_ =	sdelay $0x4  }
0xb8: {  	[tilespmem:v8+s0+$0x0] =	vst.idx.msk $0xffff, v9  }
0xb9: {  	v8 =	vadd.s32 s7, v1;
	v9 =	vld [tilespmem:s4+$0x10];
	_ =	sdelay $0x4  }
0xba: {  	[tilespmem:v8+s0+$0x0] =	vst.idx.msk $0xffff, v9  }
0xbb: {  	v8 =	vadd.s32 s7, v2;
	v9 =	vld [tilespmem:s4+$0x20];
	_ =	sdelay $0x4  }
0xbc: {  	[tilespmem:v8+s0+$0x0] =	vst.idx.msk $0xffff, v9  }
0xbd: {  	v8 =	vadd.s32 s7, v3;
	v9 =	vld [tilespmem:s4+$0x30];
	_ =	sdelay $0x4  }
0xbe: {  	[tilespmem:v8+s0+$0x0] =	vst.idx.msk $0xffff, v9  }
0xbf: {  	v8 =	vadd.s32 s7, v4;
	v9 =	vld [tilespmem:s4+$0x40];
	_ =	sdelay $0x4  }
0xc0: {  	[tilespmem:v8+s0+$0x0] =	vst.idx.msk $0xffff, v9  }
0xc1: {  	v8 =	vadd.s32 s7, v5;
	v9 =	vld [tilespmem:s4+$0x50];
	_ =	sdelay $0x4  }
0xc2: {  	[tilespmem:v8+s0+$0x0] =	vst.idx.msk $0xffff, v9  }
0xc3: {  	v8 =	vadd.s32 s7, v6;
	v9 =	vld [tilespmem:s4+$0x60];
	_ =	sdelay $0x4  }
0xc4: {  	[tilespmem:v8+s0+$0x0] =	vst.idx.msk $0xffff, v9  }
0xc5: {  	v8 =	vadd.s32 s7, v7;
	v9 =	vld [tilespmem:s4+$0x70];
	_ =	sdelay $0x4  }
0xc6: {  	s7 =	sadd.s32 $0xFFFFFFFE, s5;
	[tilespmem:v8+s0+$0x0] =	vst.idx.msk $0xffff, v9  }
0xc7: {  	v8 =	vadd.s32 s7, v0;
	v9 =	vld [tilespmem:s4+$0x80];
	_ =	sdelay $0x4  }
0xc8: {  	[tilespmem:v8+s0+$0x0] =	vst.idx.msk $0xffff, v9  }
0xc9: {  	v8 =	vadd.s32 s7, v1;
	v9 =	vld [tilespmem:s4+$0x90];
	_ =	sdelay $0x4  }
0xca: {  	[tilespmem:v8+s0+$0x0] =	vst.idx.msk $0xffff, v9  }
0xcb: {  	v8 =	vadd.s32 s7, v2;
	v9 =	vld [tilespmem:s4+$0xA0];
	_ =	sdelay $0x4  }
0xcc: {  	[tilespmem:v8+s0+$0x0] =	vst.idx.msk $0xffff, v9  }
0xcd: {  	v8 =	vadd.s32 s7, v3;
	v9 =	vld [tilespmem:s4+$0xB0];
	_ =	sdelay $0x4  }
0xce: {  	[tilespmem:v8+s0+$0x0] =	vst.idx.msk $0xffff, v9  }
0xcf: {  	v8 =	vadd.s32 s7, v4;
	v9 =	vld [tilespmem:s4+$0xC0];
	_ =	sdelay $0x4  }
0xd0: {  	[tilespmem:v8+s0+$0x0] =	vst.idx.msk $0xffff, v9  }
0xd1: {  	v8 =	vadd.s32 s7, v5;
	v9 =	vld [tilespmem:s4+$0xD0];
	_ =	sdelay $0x4  }
0xd2: {  	[tilespmem:v8+s0+$0x0] =	vst.idx.msk $0xffff, v9  }
0xd3: {  	v8 =	vadd.s32 s7, v6;
	v9 =	vld [tilespmem:s4+$0xE0];
	_ =	sdelay $0x4  }
0xd4: {  	[tilespmem:v8+s0+$0x0] =	vst.idx.msk $0xffff, v9  }
0xd5: {  	v8 =	vadd.s32 s7, v7;
	v9 =	vld [tilespmem:s4+$0xF0];
	_ =	sdelay $0x4  }
0xd6: {  	s7 =	sadd.s32 $0xFFFFFFFF, s5;
	[tilespmem:v8+s0+$0x0] =	vst.idx.msk $0xffff, v9  }
0xd7: {  	v8 =	vadd.s32 s7, v0;
	v9 =	vld [tilespmem:s4+$0x100];
	_ =	sdelay $0x4  }
0xd8: {  	[tilespmem:v8+s0+$0x0] =	vst.idx.msk $0xffff, v9  }
0xd9: {  	v8 =	vadd.s32 s7, v1;
	v9 =	vld [tilespmem:s4+$0x110];
	_ =	sdelay $0x4  }
0xda: {  	[tilespmem:v8+s0+$0x0] =	vst.idx.msk $0xffff, v9  }
0xdb: {  	v8 =	vadd.s32 s7, v2;
	v9 =	vld [tilespmem:s4+$0x120];
	_ =	sdelay $0x4  }
0xdc: {  	[tilespmem:v8+s0+$0x0] =	vst.idx.msk $0xffff, v9  }
0xdd: {  	v8 =	vadd.s32 s7, v3;
	v9 =	vld [tilespmem:s4+$0x130];
	_ =	sdelay $0x4  }
0xde: {  	[tilespmem:v8+s0+$0x0] =	vst.idx.msk $0xffff, v9  }
0xdf: {  	v8 =	vadd.s32 s7, v4;
	v9 =	vld [tilespmem:s4+$0x140];
	_ =	sdelay $0x4  }
0xe0: {  	[tilespmem:v8+s0+$0x0] =	vst.idx.msk $0xffff, v9  }
0xe1: {  	v8 =	vadd.s32 s7, v5;
	v9 =	vld [tilespmem:s4+$0x150];
	_ =	sdelay $0x4  }
0xe2: {  	[tilespmem:v8+s0+$0x0] =	vst.idx.msk $0xffff, v9  }
0xe3: {  	v8 =	vadd.s32 s7, v6;
	v9 =	vld [tilespmem:s4+$0x160];
	_ =	sdelay $0x4  }
0xe4: {  	[tilespmem:v8+s0+$0x0] =	vst.idx.msk $0xffff, v9  }
0xe5: {  	v8 =	vadd.s32 s7, v7;
	v9 =	vld [tilespmem:s4+$0x170];
	_ =	sdelay $0x4  }
0xe6: {  	[tilespmem:v8+s0+$0x0] =	vst.idx.msk $0xffff, v9  }
0xe7: {  	v8 =	vadd.s32 s5, v0;
	v9 =	vld [tilespmem:s4+$0x180];
	_ =	sdelay $0x4  }
0xe8: {  	[tilespmem:v8+s0+$0x0] =	vst.idx.msk $0xffff, v9  }
0xe9: {  	v8 =	vadd.s32 s5, v1;
	v9 =	vld [tilespmem:s4+$0x190];
	_ =	sdelay $0x4  }
0xea: {  	[tilespmem:v8+s0+$0x0] =	vst.idx.msk $0xffff, v9  }
0xeb: {  	v8 =	vadd.s32 s5, v2;
	v9 =	vld [tilespmem:s4+$0x1A0];
	_ =	sdelay $0x4  }
0xec: {  	[tilespmem:v8+s0+$0x0] =	vst.idx.msk $0xffff, v9  }
0xed: {  	v8 =	vadd.s32 s5, v3;
	v9 =	vld [tilespmem:s4+$0x1B0];
	_ =	sdelay $0x4  }
0xee: {  	[tilespmem:v8+s0+$0x0] =	vst.idx.msk $0xffff, v9  }
0xef: {  	v8 =	vadd.s32 s5, v4;
	v9 =	vld [tilespmem:s4+$0x1C0];
	_ =	sdelay $0x4  }
0xf0: {  	[tilespmem:v8+s0+$0x0] =	vst.idx.msk $0xffff, v9  }
0xf1: {  	v8 =	vadd.s32 s5, v5;
	v9 =	vld [tilespmem:s4+$0x1D0];
	_ =	sdelay $0x4  }
0xf2: {  	[tilespmem:v8+s0+$0x0] =	vst.idx.msk $0xffff, v9  }
0xf3: {  	v8 =	vadd.s32 s5, v6;
	v9 =	vld [tilespmem:s4+$0x1E0];
	_ =	sdelay $0x4  }
0xf4: {  	[tilespmem:v8+s0+$0x0] =	vst.idx.msk $0xffff, v9  }
0xf5: {  	v8 =	vadd.s32 s5, v7;
	s5 =	smov.u32 s6;
	v9 =	vld [tilespmem:s4+$0x1F0]  }
.Ltmp0:
0xf6: {  	(pc) =	sbr.rel @p0 .LBB2_2-.Ltmp0, $2  }
0xf7: {  	_ =	sdelay $0x2  }
0xf8: {  	s6 =	sadd.s32 $0x8, s6;
	s7 =	sadd.s32 $0xFFFFFFF9, s5;
	s4 =	sadd.s32 $0x400, s4;
	[tilespmem:v8+s0+$0x0] =	vst.idx.msk $0xffff, v9  }
0xf9: {  	v8 =	vadd.s32 s7, v0;
	v9 =	vld [tilespmem:s4+$0xFFFFFE00];
	_ =	sdelay $0x4  }
0xfa: {  	[tilespmem:v8+s0+$0x0] =	vst.idx.msk $0xffff, v9  }
0xfb: {  	v8 =	vadd.s32 s7, v1;
	v9 =	vld [tilespmem:s4+$0xFFFFFE10];
	_ =	sdelay $0x4  }
0xfc: {  	[tilespmem:v8+s0+$0x0] =	vst.idx.msk $0xffff, v9  }
0xfd: {  	v8 =	vadd.s32 s7, v2;
	v9 =	vld [tilespmem:s4+$0xFFFFFE20];
	_ =	sdelay $0x4  }
0xfe: {  	[tilespmem:v8+s0+$0x0] =	vst.idx.msk $0xffff, v9  }
0xff: {  	v8 =	vadd.s32 s7, v3;
	v9 =	vld [tilespmem:s4+$0xFFFFFE30];
	_ =	sdelay $0x4  }
0x100: {  	[tilespmem:v8+s0+$0x0] =	vst.idx.msk $0xffff, v9  }
0x101: {  	v8 =	vadd.s32 s7, v4;
	v9 =	vld [tilespmem:s4+$0xFFFFFE40];
	_ =	sdelay $0x4  }
0x102: {  	[tilespmem:v8+s0+$0x0] =	vst.idx.msk $0xffff, v9  }
0x103: {  	v8 =	vadd.s32 s7, v5;
	v9 =	vld [tilespmem:s4+$0xFFFFFE50];
	_ =	sdelay $0x4  }
0x104: {  	[tilespmem:v8+s0+$0x0] =	vst.idx.msk $0xffff, v9  }
0x105: {  	v8 =	vadd.s32 s7, v6;
	v9 =	vld [tilespmem:s4+$0xFFFFFE60];
	_ =	sdelay $0x4  }
0x106: {  	[tilespmem:v8+s0+$0x0] =	vst.idx.msk $0xffff, v9  }
0x107: {  	v8 =	vadd.s32 s7, v7;
	v9 =	vld [tilespmem:s4+$0xFFFFFE70];
	_ =	sdelay $0x4  }
0x108: {  	s6 =	sadd.s32 $0xFFFFFFFA, s5;
	[tilespmem:v8+s0+$0x0] =	vst.idx.msk $0xffff, v9  }
0x109: {  	v8 =	vadd.s32 s6, v0;
	v9 =	vld [tilespmem:s4+$0xFFFFFE80];
	_ =	sdelay $0x4  }
0x10a: {  	[tilespmem:v8+s0+$0x0] =	vst.idx.msk $0xffff, v9  }
0x10b: {  	v8 =	vadd.s32 s6, v1;
	v9 =	vld [tilespmem:s4+$0xFFFFFE90];
	_ =	sdelay $0x4  }
0x10c: {  	[tilespmem:v8+s0+$0x0] =	vst.idx.msk $0xffff, v9  }
0x10d: {  	v8 =	vadd.s32 s6, v2;
	v9 =	vld [tilespmem:s4+$0xFFFFFEA0];
	_ =	sdelay $0x4  }
0x10e: {  	[tilespmem:v8+s0+$0x0] =	vst.idx.msk $0xffff, v9  }
0x10f: {  	v8 =	vadd.s32 s6, v3;
	v9 =	vld [tilespmem:s4+$0xFFFFFEB0];
	_ =	sdelay $0x4  }
0x110: {  	[tilespmem:v8+s0+$0x0] =	vst.idx.msk $0xffff, v9  }
0x111: {  	v8 =	vadd.s32 s6, v4;
	v9 =	vld [tilespmem:s4+$0xFFFFFEC0];
	_ =	sdelay $0x4  }
0x112: {  	[tilespmem:v8+s0+$0x0] =	vst.idx.msk $0xffff, v9  }
0x113: {  	v8 =	vadd.s32 s6, v5;
	v9 =	vld [tilespmem:s4+$0xFFFFFED0];
	_ =	sdelay $0x4  }
0x114: {  	[tilespmem:v8+s0+$0x0] =	vst.idx.msk $0xffff, v9  }
0x115: {  	v8 =	vadd.s32 s6, v6;
	v9 =	vld [tilespmem:s4+$0xFFFFFEE0];
	_ =	sdelay $0x4  }
0x116: {  	[tilespmem:v8+s0+$0x0] =	vst.idx.msk $0xffff, v9  }
0x117: {  	v8 =	vadd.s32 s6, v7;
	v9 =	vld [tilespmem:s4+$0xFFFFFEF0];
	_ =	sdelay $0x4  }
0x118: {  	s7 =	sadd.s32 $0xFFFFFFFB, s5;
	[tilespmem:v8+s0+$0x0] =	vst.idx.msk $0xffff, v9  }
0x119: {  	v8 =	vadd.s32 s7, v0;
	v9 =	vld [tilespmem:s4+$0xFFFFFF00];
	_ =	sdelay $0x4  }
0x11a: {  	[tilespmem:v8+s0+$0x0] =	vst.idx.msk $0xffff, v9  }
0x11b: {  	v8 =	vadd.s32 s7, v1;
	v9 =	vld [tilespmem:s4+$0xFFFFFF10];
	_ =	sdelay $0x4  }
0x11c: {  	[tilespmem:v8+s0+$0x0] =	vst.idx.msk $0xffff, v9  }
0x11d: {  	v8 =	vadd.s32 s7, v2;
	v9 =	vld [tilespmem:s4+$0xFFFFFF20];
	_ =	sdelay $0x4  }
0x11e: {  	[tilespmem:v8+s0+$0x0] =	vst.idx.msk $0xffff, v9  }
0x11f: {  	v8 =	vadd.s32 s7, v3;
	v9 =	vld [tilespmem:s4+$0xFFFFFF30];
	_ =	sdelay $0x4  }
0x120: {  	[tilespmem:v8+s0+$0x0] =	vst.idx.msk $0xffff, v9  }
0x121: {  	v8 =	vadd.s32 s7, v4;
	v9 =	vld [tilespmem:s4+$0xFFFFFF40];
	_ =	sdelay $0x4  }
0x122: {  	[tilespmem:v8+s0+$0x0] =	vst.idx.msk $0xffff, v9  }
0x123: {  	v8 =	vadd.s32 s7, v5;
	v9 =	vld [tilespmem:s4+$0xFFFFFF50];
	_ =	sdelay $0x4  }
0x124: {  	[tilespmem:v8+s0+$0x0] =	vst.idx.msk $0xffff, v9  }
0x125: {  	v8 =	vadd.s32 s7, v6;
	v9 =	vld [tilespmem:s4+$0xFFFFFF60];
	_ =	sdelay $0x4  }
0x126: {  	[tilespmem:v8+s0+$0x0] =	vst.idx.msk $0xffff, v9  }
0x127: {  	v8 =	vadd.s32 s7, v7;
	v9 =	vld [tilespmem:s4+$0xFFFFFF70];
	_ =	sdelay $0x4  }
0x128: {  	s7 =	sadd.s32 $0xFFFFFFFC, s5;
	[tilespmem:v8+s0+$0x0] =	vst.idx.msk $0xffff, v9  }
0x129: {  	v8 =	vadd.s32 s7, v0;
	v9 =	vld [tilespmem:s4+$0xFFFFFF80];
	_ =	sdelay $0x4  }
0x12a: {  	[tilespmem:v8+s0+$0x0] =	vst.idx.msk $0xffff, v9  }
0x12b: {  	v8 =	vadd.s32 s7, v1;
	v9 =	vld [tilespmem:s4+$0xFFFFFF90];
	_ =	sdelay $0x4  }
0x12c: {  	[tilespmem:v8+s0+$0x0] =	vst.idx.msk $0xffff, v9  }
0x12d: {  	v8 =	vadd.s32 s7, v2;
	v9 =	vld [tilespmem:s4+$0xFFFFFFA0];
	_ =	sdelay $0x4  }
0x12e: {  	[tilespmem:v8+s0+$0x0] =	vst.idx.msk $0xffff, v9  }
0x12f: {  	v8 =	vadd.s32 s7, v3;
	v9 =	vld [tilespmem:s4+$0xFFFFFFB0];
	_ =	sdelay $0x4  }
0x130: {  	[tilespmem:v8+s0+$0x0] =	vst.idx.msk $0xffff, v9  }
0x131: {  	v8 =	vadd.s32 s7, v4;
	v9 =	vld [tilespmem:s4+$0xFFFFFFC0];
	_ =	sdelay $0x4  }
0x132: {  	[tilespmem:v8+s0+$0x0] =	vst.idx.msk $0xffff, v9  }
0x133: {  	v8 =	vadd.s32 s7, v5;
	v9 =	vld [tilespmem:s4+$0xFFFFFFD0];
	_ =	sdelay $0x4  }
0x134: {  	[tilespmem:v8+s0+$0x0] =	vst.idx.msk $0xffff, v9  }
0x135: {  	v8 =	vadd.s32 s7, v6;
	v9 =	vld [tilespmem:s4+$0xFFFFFFE0];
	_ =	sdelay $0x4  }
0x136: {  	[tilespmem:v8+s0+$0x0] =	vst.idx.msk $0xffff, v9  }
0x137: {  	v8 =	vadd.s32 s7, v7;
	v9 =	vld [tilespmem:s4+$0xFFFFFFF0];
	_ =	sdelay $0x4  }
0x138: {  	s7 =	sadd.s32 $0xFFFFFFFD, s5;
	[tilespmem:v8+s0+$0x0] =	vst.idx.msk $0xffff, v9  }
0x139: {  	v8 =	vadd.s32 s7, v0;
	v9 =	vld [tilespmem:s4+$0x0];
	_ =	sdelay $0x4  }
0x13a: {  	[tilespmem:v8+s0+$0x0] =	vst.idx.msk $0xffff, v9  }
0x13b: {  	v8 =	vadd.s32 s7, v1;
	v9 =	vld [tilespmem:s4+$0x10];
	_ =	sdelay $0x4  }
0x13c: {  	[tilespmem:v8+s0+$0x0] =	vst.idx.msk $0xffff, v9  }
0x13d: {  	v8 =	vadd.s32 s7, v2;
	v9 =	vld [tilespmem:s4+$0x20];
	_ =	sdelay $0x4  }
0x13e: {  	[tilespmem:v8+s0+$0x0] =	vst.idx.msk $0xffff, v9  }
0x13f: {  	v8 =	vadd.s32 s7, v3;
	v9 =	vld [tilespmem:s4+$0x30];
	_ =	sdelay $0x4  }
0x140: {  	[tilespmem:v8+s0+$0x0] =	vst.idx.msk $0xffff, v9  }
0x141: {  	v8 =	vadd.s32 s7, v4;
	v9 =	vld [tilespmem:s4+$0x40];
	_ =	sdelay $0x4  }
0x142: {  	[tilespmem:v8+s0+$0x0] =	vst.idx.msk $0xffff, v9  }
0x143: {  	v8 =	vadd.s32 s7, v5;
	v9 =	vld [tilespmem:s4+$0x50];
	_ =	sdelay $0x4  }
0x144: {  	[tilespmem:v8+s0+$0x0] =	vst.idx.msk $0xffff, v9  }
0x145: {  	v8 =	vadd.s32 s7, v6;
	v9 =	vld [tilespmem:s4+$0x60];
	_ =	sdelay $0x4  }
0x146: {  	[tilespmem:v8+s0+$0x0] =	vst.idx.msk $0xffff, v9  }
0x147: {  	v8 =	vadd.s32 s7, v7;
	v9 =	vld [tilespmem:s4+$0x70];
	_ =	sdelay $0x4  }
0x148: {  	s7 =	sadd.s32 $0xFFFFFFFE, s5;
	[tilespmem:v8+s0+$0x0] =	vst.idx.msk $0xffff, v9  }
0x149: {  	v8 =	vadd.s32 s7, v0;
	v9 =	vld [tilespmem:s4+$0x80];
	_ =	sdelay $0x4  }
0x14a: {  	[tilespmem:v8+s0+$0x0] =	vst.idx.msk $0xffff, v9  }
0x14b: {  	v8 =	vadd.s32 s7, v1;
	v9 =	vld [tilespmem:s4+$0x90];
	_ =	sdelay $0x4  }
0x14c: {  	[tilespmem:v8+s0+$0x0] =	vst.idx.msk $0xffff, v9  }
0x14d: {  	v8 =	vadd.s32 s7, v2;
	v9 =	vld [tilespmem:s4+$0xA0];
	_ =	sdelay $0x4  }
0x14e: {  	[tilespmem:v8+s0+$0x0] =	vst.idx.msk $0xffff, v9  }
0x14f: {  	v8 =	vadd.s32 s7, v3;
	v9 =	vld [tilespmem:s4+$0xB0];
	_ =	sdelay $0x4  }
0x150: {  	[tilespmem:v8+s0+$0x0] =	vst.idx.msk $0xffff, v9  }
0x151: {  	v8 =	vadd.s32 s7, v4;
	v9 =	vld [tilespmem:s4+$0xC0];
	_ =	sdelay $0x4  }
0x152: {  	[tilespmem:v8+s0+$0x0] =	vst.idx.msk $0xffff, v9  }
0x153: {  	v8 =	vadd.s32 s7, v5;
	v9 =	vld [tilespmem:s4+$0xD0];
	_ =	sdelay $0x4  }
0x154: {  	[tilespmem:v8+s0+$0x0] =	vst.idx.msk $0xffff, v9  }
0x155: {  	v8 =	vadd.s32 s7, v6;
	v9 =	vld [tilespmem:s4+$0xE0];
	_ =	sdelay $0x4  }
0x156: {  	[tilespmem:v8+s0+$0x0] =	vst.idx.msk $0xffff, v9  }
0x157: {  	v8 =	vadd.s32 s7, v7;
	v9 =	vld [tilespmem:s4+$0xF0];
	_ =	sdelay $0x4  }
0x158: {  	s7 =	sadd.s32 $0xFFFFFFFF, s5;
	[tilespmem:v8+s0+$0x0] =	vst.idx.msk $0xffff, v9  }
0x159: {  	v8 =	vadd.s32 s7, v0;
	v9 =	vld [tilespmem:s4+$0x100];
	_ =	sdelay $0x4  }
0x15a: {  	[tilespmem:v8+s0+$0x0] =	vst.idx.msk $0xffff, v9  }
0x15b: {  	v8 =	vadd.s32 s7, v1;
	v9 =	vld [tilespmem:s4+$0x110];
	_ =	sdelay $0x4  }
0x15c: {  	[tilespmem:v8+s0+$0x0] =	vst.idx.msk $0xffff, v9  }
0x15d: {  	v8 =	vadd.s32 s7, v2;
	v9 =	vld [tilespmem:s4+$0x120];
	_ =	sdelay $0x4  }
0x15e: {  	[tilespmem:v8+s0+$0x0] =	vst.idx.msk $0xffff, v9  }
0x15f: {  	v8 =	vadd.s32 s7, v3;
	v9 =	vld [tilespmem:s4+$0x130];
	_ =	sdelay $0x4  }
0x160: {  	[tilespmem:v8+s0+$0x0] =	vst.idx.msk $0xffff, v9  }
0x161: {  	v8 =	vadd.s32 s7, v4;
	v9 =	vld [tilespmem:s4+$0x140];
	_ =	sdelay $0x4  }
0x162: {  	[tilespmem:v8+s0+$0x0] =	vst.idx.msk $0xffff, v9  }
0x163: {  	v8 =	vadd.s32 s7, v5;
	v9 =	vld [tilespmem:s4+$0x150];
	_ =	sdelay $0x4  }
0x164: {  	[tilespmem:v8+s0+$0x0] =	vst.idx.msk $0xffff, v9  }
0x165: {  	v8 =	vadd.s32 s7, v6;
	v9 =	vld [tilespmem:s4+$0x160];
	_ =	sdelay $0x4  }
0x166: {  	[tilespmem:v8+s0+$0x0] =	vst.idx.msk $0xffff, v9  }
0x167: {  	v8 =	vadd.s32 s7, v7;
	v9 =	vld [tilespmem:s4+$0x170];
	_ =	sdelay $0x4  }
0x168: {  	[tilespmem:v8+s0+$0x0] =	vst.idx.msk $0xffff, v9  }
0x169: {  	v8 =	vadd.s32 s5, v0;
	v9 =	vld [tilespmem:s4+$0x180];
	_ =	sdelay $0x4  }
0x16a: {  	[tilespmem:v8+s0+$0x0] =	vst.idx.msk $0xffff, v9  }
0x16b: {  	v8 =	vadd.s32 s5, v1;
	v9 =	vld [tilespmem:s4+$0x190];
	_ =	sdelay $0x4  }
0x16c: {  	[tilespmem:v8+s0+$0x0] =	vst.idx.msk $0xffff, v9  }
0x16d: {  	v8 =	vadd.s32 s5, v2;
	v9 =	vld [tilespmem:s4+$0x1A0];
	_ =	sdelay $0x4  }
0x16e: {  	[tilespmem:v8+s0+$0x0] =	vst.idx.msk $0xffff, v9  }
0x16f: {  	v8 =	vadd.s32 s5, v3;
	v9 =	vld [tilespmem:s4+$0x1B0];
	_ =	sdelay $0x4  }
0x170: {  	[tilespmem:v8+s0+$0x0] =	vst.idx.msk $0xffff, v9  }
0x171: {  	v8 =	vadd.s32 s5, v4;
	v9 =	vld [tilespmem:s4+$0x1C0];
	_ =	sdelay $0x4  }
0x172: {  	[tilespmem:v8+s0+$0x0] =	vst.idx.msk $0xffff, v9  }
0x173: {  	v8 =	vadd.s32 s5, v5;
	v9 =	vld [tilespmem:s4+$0x1D0];
	_ =	sdelay $0x4  }
0x174: {  	[tilespmem:v8+s0+$0x0] =	vst.idx.msk $0xffff, v9  }
0x175: {  	v8 =	vadd.s32 s5, v6;
	v9 =	vld [tilespmem:s4+$0x1E0];
	_ =	sdelay $0x4  }
0x176: {  	[tilespmem:v8+s0+$0x0] =	vst.idx.msk $0xffff, v9  }
0x177: {  	v8 =	vadd.s32 s5, v7;
	v9 =	vld [tilespmem:s4+$0x1F0];
	_ =	sdelay $0x2  }
0x178: {  	s1 =	sadd.s32 $0x1, s1  }
0x179: {  	p0 =	sne.s32 s1, s25  }
.Ltmp1:
0x17a: {  	[tilespmem:v8+s0+$0x0] =	vst.idx.msk $0xffff, v9;
	(pc) =	sbr.rel @p0 .LBB2_1-.Ltmp1, $4  }
0x17b: {  	[hbm4b:s23+s2] =	stream.linear.scatter [tilespmem:s0], [sflag:$0x1], $0x6400, $0x38;
	[tilespmem:$0xC800] =	vst v63  }
0x17c: {  	_ =	swait.ge [sflag:s31], $0x6400  }
0x17d: {  	[sflag:s31] =	ssyncset.done $0x0  }
0x17e: {  	[sflag:s31] =	ssyncadd.s32 $0xFFFF9C00  }
0x17f: {  	_ =	sfence.sel $0x180000  }
0x180: {  	[bflag:$0x0] =	sbarrier.arrive $0xFFFF  }
0x181: {  	_ =	strace $0x90000047  }
0x182: {  	s0 =	stileid.u32;
	[bflag:$0x2] =	sbarrier.arrive $0xFFFF  }
0x183: {  	p0 =	sne.s32 s0, $0x0;
	s0 =	rddreg [dreg:$0x2]  }
0x184: {  	s0 =	sadd.s32 @!p0 $0x100000, s0  }
0x185: {  	[sflag:s0] =	ssyncadd.tile.s32 @!p0 $0x1;
	_ =	shalt  }
.Lfunc_end2:
_tile_overlayer_lowered:
.L_overlay_start_2:
0x186: {  	(tag) =	ssettag $0x2  }
0x187: {  	s0 =	rddreg [dreg:$0x0];
	s2 =	stileid.u32  }
0x188: {  	s1 =	rddreg [dreg:$0x1];
	p0 =	sne.s32 s2, $0x0  }
0x189: {  	s3 =	rddreg [dreg:$0x2];
	[bflag:$0x3] =	sbarrier.arrive $0xFFFF;
	s2 =	simm.s32 @!p0 $0x1C01  }
0x18a: {  	[timem:s3], [sflag:s2] =	dma.local @!p0 [hbm:s0], s1  }
0x18b: {  	s0 =	simm.s32 @!p0 $0x1  }
0x18c: {  	_ =	swait.ge @!p0 [sflag:s0], s1  }
0x18d: {  	s1 =	ssub.s32 @!p0 $0x0, s1;
	[sflag:s0] =	ssyncset.done @!p0 $0x0  }
0x18e: {  	[sflag:s0] =	ssyncadd.s32 @!p0 s1  }
0x18f: {  	[bflag:$0x3] =	sbarrier.arrive $0xFFFF  }
0x190: {  	_ =	shalt  }

</sc_bundles>
